<compile_context>
chip_gen: v7x
topology: tpu7x:2x2x1
jax: 0.10.2.dev20260603
libtpu: 0.0.44.dev20260713+nightly
codegen_flags: <defaults>
</compile_context>

<pallas_src>
import functools

import jax
import jax.numpy as jnp
from jax import lax
from jax.experimental import pallas as pl
from jax.experimental.pallas import tpu as pltpu
from jax.experimental.pallas import tpu_sc as plsc

N_BINS = 32
FEATS = 128
N_ROWS = 262144
NUM_WORKERS = 32
ROWS_PER_W = N_ROWS // NUM_WORKERS
CHUNK = 128
NCHUNK = ROWS_PER_W // CHUNK
LANES = 16
HIST = N_BINS * FEATS


def _sc_histogram(x2d):
    mesh = plsc.VectorSubcoreMesh(core_axis_name="c", subcore_axis_name="s")

    @functools.partial(
        pl.kernel,
        mesh=mesh,
        out_type=jax.ShapeDtypeStruct((NUM_WORKERS, HIST), jnp.float32),
        compiler_params=pltpu.CompilerParams(needs_layout_passes=False),
        scratch_types=[
            pltpu.VMEM((2, CHUNK, FEATS), jnp.float32),
            pltpu.VMEM((HIST,), jnp.float32),
            pltpu.SemaphoreType.DMA,
            pltpu.SemaphoreType.DMA,
        ],
    )
    def sc_hist(x_hbm, parts_hbm, buf, hist, sem0, sem1):
        cid = lax.axis_index("c")
        sid = lax.axis_index("s")
        wid = sid * 2 + cid
        base = wid * ROWS_PER_W

        zeros16 = jnp.zeros((LANES,), jnp.float32)

        def zero_body(i, _):
            hist[pl.ds(i * LANES, LANES)] = zeros16
            return 0

        lax.fori_loop(0, HIST // LANES, zero_body, 0)

        sems = (sem0, sem1)

        def copy(k, b):
            return pltpu.make_async_copy(
                x_hbm.at[pl.ds(base + k * CHUNK, CHUNK), :],
                buf.at[b],
                sems[b],
            )

        ones16 = jnp.full((LANES,), 1.0, jnp.float32)
        iota16 = lax.iota(jnp.int32, LANES)
        fvecs = [iota16 + (j * LANES) for j in range(FEATS // LANES)]

        def compute(b):
            def row_body(r, _):
                for j in range(FEATS // LANES):
                    v = buf[b, r, pl.ds(j * LANES, LANES)]
                    m = 32.0 / (1.0 + jnp.exp(-v))
                    i = jnp.minimum(m.astype(jnp.int32), 31)
                    flat = (i << 7) + fvecs[j]
                    plsc.addupdate_scatter(hist, [flat], ones16)
                return 0

            lax.fori_loop(0, CHUNK, row_body, 0)

        copy(0, 0).start()

        def outer(g, _):
            for b in range(2):
                k = 2 * g + b
                nxt = k + 1

                @pl.when(nxt < NCHUNK)
                def _():
                    copy(nxt, 1 - b).start()

                copy(k, b).wait()
                compute(b)
            return 0

        lax.fori_loop(0, NCHUNK // 2, outer, 0)

        pltpu.sync_copy(hist, parts_hbm.at[wid])

    return sc_hist(x2d)


def _tc_finish(parts):

    def body(parts_ref, out_ref):
        a = parts_ref[...]
        rows = lax.broadcasted_iota(jnp.int32, (NUM_WORKERS * N_BINS, N_BINS), 0)
        cols = lax.broadcasted_iota(jnp.int32, (NUM_WORKERS * N_BINS, N_BINS), 1)
        sel = jnp.where((rows % N_BINS) == cols, 1.0, 0.0).astype(jnp.float32)
        out = lax.dot_general(
            a, sel, (((0,), (0,)), ((), ())),
            preferred_element_type=jnp.float32,
        )
        out_ref[...] = out * (1.0 / N_ROWS)

    return pl.pallas_call(
        body,
        out_shape=jax.ShapeDtypeStruct((FEATS, N_BINS), jnp.float32),
    )(parts)


def kernel(x):
    x2d = x.reshape(N_ROWS, FEATS)
    parts = _sc_histogram(x2d)
    return _tc_finish(parts.reshape(NUM_WORKERS * N_BINS, FEATS))

# --- scband reference (transcript-rebuilt; emitter-appended) ---
"""Pipeline reference for scband-histogram-layer-37331855736975 (READ-ONLY COPY).

The authoritative reference and input builder live on the scoring server;
editing this copy changes nothing except your own understanding.
"""

import jax, jax.numpy as jnp
import numpy as np

N_BINS = 32
INPUT_SIZE = 128


def setup_inputs(seed: int = 0) -> dict:
    key = jax.random.key(seed)
    x = jax.random.normal(key, (1, 262144, INPUT_SIZE), dtype=jnp.float32)
    return {"x": x}


def reference(x):
    # Histogram_Layer: sigmoid -> HardHistogram -> squeeze(0)
    B, N, F = x.shape
    num_bins = N_BINS
    s = jax.nn.sigmoid(x)  # values in (0, 1)
    # Hard binning: assign each value to the bin whose center is nearest
    # (equivalently floor(s * num_bins) with clipping at the edges).
    idx = jnp.clip(jnp.floor(s * num_bins).astype(jnp.int32), 0, num_bins - 1)  # [B, N, F]
    idx = jax.lax.stop_gradient(idx)
    f_idx = jnp.arange(F, dtype=jnp.int32)[None, None, :]  # [1, 1, F]
    flat = f_idx * num_bins + idx  # [B, N, F] in [0, F*num_bins)
    b_idx = jnp.broadcast_to(jnp.arange(B, dtype=jnp.int32)[:, None, None], flat.shape)
    hist = jnp.zeros((B, F * num_bins), dtype=x.dtype)
    hist = hist.at[b_idx.reshape(-1), flat.reshape(-1)].add(1.0)  # scatter-add counts
    hist = hist.reshape(B, F, num_bins) / jnp.asarray(N, dtype=x.dtype)  # normalized histogram
    out = jnp.squeeze(hist, axis=0)  # squeeze(0): [F, num_bins]
    return out

if __name__ == "__main__":
    import jax
    _d = setup_inputs()
    print(jax.jit(kernel)(*tuple(_d.values())))

</pallas_src>

<mosaic_0001>
#map = affine_map<(d0, d1) -> (0, 0)>
module attributes {stable_mosaic.version = 14 : i64} {
  func.func @sc_hist(%arg0: i32, %arg1: i32, %arg2: memref<262144x128xf32, #tpu.memory_space<hbm>>, %arg3: memref<32x4096xf32, #tpu.memory_space<hbm>>, %arg4: memref<2x128x128xf32, #tpu.memory_space<vmem>>, %arg5: memref<4096xf32, #tpu.memory_space<vmem>>, %arg6: memref<!tpu.dma_semaphore, #tpu.memory_space<semaphore_mem>>, %arg7: memref<!tpu.dma_semaphore, #tpu.memory_space<semaphore_mem>>) attributes {dimension_semantics = [#tpu.dimension_semantics<core_parallel>, #tpu.dimension_semantics<subcore_parallel>], iteration_bounds = array<i64: 2, 16>, scalar_prefetch = 0 : i64, scratch_operands = 4 : i64, tpu.core_type = #tpu.core_type<sc_vector_subcore>, window_params = [{transform_indices = #map}, {transform_indices = #map}]} {
    %mul3A = arith.constant 2 : i32
    %mul3A_0 = arith.muli %arg1, %mul3A : i32
    %add3A = arith.addi %mul3A_0, %arg0 : i32
    %mul3A_1 = arith.constant 8192 : i32
    %mul3A_2 = arith.muli %add3A, %mul3A_1 : i32
    %broadcast_in_dim3A = arith.constant 0.000000e+00 : f32
    %broadcast_in_dim3A_3 = vector.broadcast %broadcast_in_dim3A : f32 to vector<16xf32>
    %scan3A = arith.constant 0 : i32
    %scan3A_4 = arith.constant 0 : i32
    %scan3A_5 = arith.constant 256 : i32
    %scan3A_6 = arith.addi %scan3A_4, %scan3A_5 : i32
    %scan3A_7 = arith.constant 1 : i32
    %scan3A_8 = scf.for %scan3A_57 = %scan3A_4 to %scan3A_6 step %scan3A_7 iter_args(%scan3A_58 = %scan3A) -> (i32)  : i32 {
      %mul3A_59 = arith.constant 16 : i32
      %mul3A_60 = arith.muli %scan3A_57, %mul3A_59 : i32
      %swap3A = arith.index_cast %mul3A_60 : i32 to index
      %swap3A_61 = tpu.vector_load %arg5[%swap3A] {strides = array<i32>} : memref<4096xf32, #tpu.memory_space<vmem>>, vector<16xf32>,
      tpu.vector_store %arg5[%swap3A], %broadcast_in_dim3A_3 {strides = array<i32>} : memref<4096xf32, #tpu.memory_space<vmem>>, vector<16xf32>,
      %scan3A_62 = arith.constant 0 : i32
      scf.yield %scan3A_62 : i32
    }
    %scan3A_9 = arith.constant 256 : i32
    %broadcast_in_dim3A_10 = arith.constant 1.000000e+00 : f32
    %broadcast_in_dim3A_11 = vector.broadcast %broadcast_in_dim3A_10 : f32 to vector<16xf32>
    %iota3A = tpu.iota {dimensions = array<i32: 0>} : vector<16xi32>
    %add3A_12 = arith.constant 0 : i32
    %add3A_13 = vector.broadcast %add3A_12 : i32 to vector<16xi32>
    %add3A_14 = arith.addi %iota3A, %add3A_13 : vector<16xi32>
    %add3A_15 = arith.constant 16 : i32
    %add3A_16 = vector.broadcast %add3A_15 : i32 to vector<16xi32>
    %add3A_17 = arith.addi %iota3A, %add3A_16 : vector<16xi32>
    %add3A_18 = arith.constant 32 : i32
    %add3A_19 = vector.broadcast %add3A_18 : i32 to vector<16xi32>
    %add3A_20 = arith.addi %iota3A, %add3A_19 : vector<16xi32>
    %add3A_21 = arith.constant 48 : i32
    %add3A_22 = vector.broadcast %add3A_21 : i32 to vector<16xi32>
    %add3A_23 = arith.addi %iota3A, %add3A_22 : vector<16xi32>
    %add3A_24 = arith.constant 64 : i32
    %add3A_25 = vector.broadcast %add3A_24 : i32 to vector<16xi32>
    %add3A_26 = arith.addi %iota3A, %add3A_25 : vector<16xi32>
    %add3A_27 = arith.constant 80 : i32
    %add3A_28 = vector.broadcast %add3A_27 : i32 to vector<16xi32>
    %add3A_29 = arith.addi %iota3A, %add3A_28 : vector<16xi32>
    %add3A_30 = arith.constant 96 : i32
    %add3A_31 = vector.broadcast %add3A_30 : i32 to vector<16xi32>
    %add3A_32 = arith.addi %iota3A, %add3A_31 : vector<16xi32>
    %add3A_33 = arith.constant 112 : i32
    %add3A_34 = vector.broadcast %add3A_33 : i32 to vector<16xi32>
    %add3A_35 = arith.addi %iota3A, %add3A_34 : vector<16xi32>
    %add3A_36 = arith.constant 0 : i32
    %add3A_37 = arith.addi %mul3A_2, %add3A_36 : i32
    %dma_start3A = arith.constant 0 : i32
    %dma_start3A_38 = arith.constant 0 : i32
    %dma_start3A_39 = arith.constant 0 : i32
    %dma_start3A_40 = tpu.memref_slice %arg4[%dma_start3A, %dma_start3A_38, %dma_start3A_39] : memref<2x128x128xf32, #tpu.memory_space<vmem>> -> memref<1x128x128xf32, #tpu.memory_space<vmem>>
    %dma_start3A_41 = tpu.memref_squeeze %dma_start3A_40 : memref<1x128x128xf32, #tpu.memory_space<vmem>> -> memref<128x128xf32, #tpu.memory_space<vmem>>
    %dma_start3A_42 = arith.constant 0 : i32
    %dma_start3A_43 = tpu.memref_slice %arg2[%add3A_37, %dma_start3A_42] : memref<262144x128xf32, #tpu.memory_space<hbm>> -> memref<128x128xf32, #tpu.memory_space<hbm>>
    %dma_start3A_44 = arith.constant 0 : i32
    %dma_start3A_45 = arith.constant 0 : i32
    %dma_start3A_46 = tpu.memref_slice %arg4[%dma_start3A, %dma_start3A_44, %dma_start3A_45] : memref<2x128x128xf32, #tpu.memory_space<vmem>> -> memref<1x128x128xf32, #tpu.memory_space<vmem>>
    %dma_start3A_47 = tpu.memref_squeeze %dma_start3A_46 : memref<1x128x128xf32, #tpu.memory_space<vmem>> -> memref<128x128xf32, #tpu.memory_space<vmem>>
    %dma_start3A_48 = arith.constant 0 : i32
    %dma_start3A_49 = tpu.memref_slice %arg2[%add3A_37, %dma_start3A_48] : memref<262144x128xf32, #tpu.memory_space<hbm>> -> memref<128x128xf32, #tpu.memory_space<hbm>>
    tpu.enqueue_dma source(%dma_start3A_49 : memref<128x128xf32, #tpu.memory_space<hbm>>) target(%dma_start3A_47 : memref<128x128xf32, #tpu.memory_space<vmem>>) target_semaphore(%arg6 : memref<!tpu.dma_semaphore, #tpu.memory_space<semaphore_mem>>)
    %scan3A_50 = arith.constant 0 : i32
    %scan3A_51 = arith.constant 0 : i32
    %scan3A_52 = arith.constant 32 : i32
    %scan3A_53 = arith.addi %scan3A_51, %scan3A_52 : i32
    %scan3A_54 = arith.constant 1 : i32
    %scan3A_55 = scf.for %scan3A_57 = %scan3A_51 to %scan3A_53 step %scan3A_54 iter_args(%scan3A_58 = %scan3A_50) -> (i32)  : i32 {
      %mul3A_59 = arith.constant 2 : i32
      %mul3A_60 = arith.muli %mul3A_59, %scan3A_57 : i32
      %add3A_61 = arith.constant 0 : i32
      %add3A_62 = arith.addi %mul3A_60, %add3A_61 : i32
      %add3A_63 = arith.constant 1 : i32
      %add3A_64 = arith.addi %add3A_62, %add3A_63 : i32
      %lt3A = arith.constant 64 : i32
      %lt3A_65 = arith.cmpi slt, %add3A_64, %lt3A : i32
      %convert_element_type3A = arith.extui %lt3A_65 : i1 to i32
      %cond3A = arith.constant 0 : i32
      %cond3A_66 = arith.cmpi ne, %convert_element_type3A, %cond3A : i32
      scf.if %cond3A_66 {
        %mul3A_124 = arith.constant 128 : i32
        %mul3A_125 = arith.muli %add3A_64, %mul3A_124 : i32
        %add3A_126 = arith.addi %mul3A_2, %mul3A_125 : i32
        %dma_start3A_127 = arith.constant 1 : i32
        %dma_start3A_128 = arith.constant 0 : i32
        %dma_start3A_129 = arith.constant 0 : i32
        %dma_start3A_130 = tpu.memref_slice %arg4[%dma_start3A_127, %dma_start3A_128, %dma_start3A_129] : memref<2x128x128xf32, #tpu.memory_space<vmem>> -> memref<1x128x128xf32, #tpu.memory_space<vmem>>
        %dma_start3A_131 = tpu.memref_squeeze %dma_start3A_130 : memref<1x128x128xf32, #tpu.memory_space<vmem>> -> memref<128x128xf32, #tpu.memory_space<vmem>>
        %dma_start3A_132 = arith.constant 0 : i32
        %dma_start3A_133 = tpu.memref_slice %arg2[%add3A_126, %dma_start3A_132] : memref<262144x128xf32, #tpu.memory_space<hbm>> -> memref<128x128xf32, #tpu.memory_space<hbm>>
        %dma_start3A_134 = arith.constant 0 : i32
        %dma_start3A_135 = arith.constant 0 : i32
        %dma_start3A_136 = tpu.memref_slice %arg4[%dma_start3A_127, %dma_start3A_134, %dma_start3A_135] : memref<2x128x128xf32, #tpu.memory_space<vmem>> -> memref<1x128x128xf32, #tpu.memory_space<vmem>>
        %dma_start3A_137 = tpu.memref_squeeze %dma_start3A_136 : memref<1x128x128xf32, #tpu.memory_space<vmem>> -> memref<128x128xf32, #tpu.memory_space<vmem>>
        %dma_start3A_138 = arith.constant 0 : i32
        %dma_start3A_139 = tpu.memref_slice %arg2[%add3A_126, %dma_start3A_138] : memref<262144x128xf32, #tpu.memory_space<hbm>> -> memref<128x128xf32, #tpu.memory_space<hbm>>
        tpu.enqueue_dma source(%dma_start3A_139 : memref<128x128xf32, #tpu.memory_space<hbm>>) target(%dma_start3A_137 : memref<128x128xf32, #tpu.memory_space<vmem>>) target_semaphore(%arg7 : memref<!tpu.dma_semaphore, #tpu.memory_space<semaphore_mem>>)
      } else {
      }
      %mul3A_67 = arith.constant 128 : i32
      %mul3A_68 = arith.muli %add3A_62, %mul3A_67 : i32
      %add3A_69 = arith.addi %mul3A_2, %mul3A_68 : i32
      %dma_wait3A = arith.constant 0 : i32
      %dma_wait3A_70 = arith.constant 0 : i32
      %dma_wait3A_71 = arith.constant 0 : i32
      %dma_wait3A_72 = tpu.memref_slice %arg4[%dma_wait3A, %dma_wait3A_70, %dma_wait3A_71] : memref<2x128x128xf32, #tpu.memory_space<vmem>> -> memref<1x128x128xf32, #tpu.memory_space<vmem>>
      %dma_wait3A_73 = tpu.memref_squeeze %dma_wait3A_72 : memref<1x128x128xf32, #tpu.memory_space<vmem>> -> memref<128x128xf32, #tpu.memory_space<vmem>>
      %dma_wait3A_74 = arith.constant 0 : i32
      %dma_wait3A_75 = tpu.memref_slice %arg2[%add3A_69, %dma_wait3A_74] : memref<262144x128xf32, #tpu.memory_space<hbm>> -> memref<128x128xf32, #tpu.memory_space<hbm>>
      %dma_wait3A_76 = arith.constant 0 : i32
      %dma_wait3A_77 = arith.constant 0 : i32
      %dma_wait3A_78 = tpu.memref_slice %arg4[%dma_wait3A, %dma_wait3A_76, %dma_wait3A_77] : memref<2x128x128xf32, #tpu.memory_space<vmem>> -> memref<1x128x128xf32, #tpu.memory_space<vmem>>
      %dma_wait3A_79 = tpu.memref_squeeze %dma_wait3A_78 : memref<1x128x128xf32, #tpu.memory_space<vmem>> -> memref<128x128xf32, #tpu.memory_space<vmem>>
      %dma_wait3A_80 = arith.constant 0 : i32
      %dma_wait3A_81 = tpu.memref_slice %arg2[%add3A_69, %dma_wait3A_80] : memref<262144x128xf32, #tpu.memory_space<hbm>> -> memref<128x128xf32, #tpu.memory_space<hbm>>
      tpu.wait_dma2 semaphore(%arg6 : memref<!tpu.dma_semaphore, #tpu.memory_space<semaphore_mem>>) src(%dma_wait3A_81 : memref<128x128xf32, #tpu.memory_space<hbm>>) dst(%dma_wait3A_79 : memref<128x128xf32, #tpu.memory_space<vmem>>)
      %scan3A_82 = arith.constant 0 : i32
      %scan3A_83 = arith.constant 0 : i32
      %scan3A_84 = arith.constant 128 : i32
      %scan3A_85 = arith.addi %scan3A_83, %scan3A_84 : i32
      %scan3A_86 = arith.constant 1 : i32
      %scan3A_87 = scf.for %scan3A_124 = %scan3A_83 to %scan3A_85 step %scan3A_86 iter_args(%scan3A_125 = %scan3A_82) -> (i32)  : i32 {
        %get3A = arith.constant 0 : i32
        %get3A_126 = arith.index_cast %get3A : i32 to index
        %get3A_127 = arith.index_cast %scan3A_124 : i32 to index
        %get3A_128 = arith.constant 0 : index
        %get3A_129 = tpu.vector_load %arg4[%get3A_126, %get3A_127, %get3A_128] {strides = array<i32>} : memref<2x128x128xf32, #tpu.memory_space<vmem>>, vector<16xf32>,
        %neg3A = arith.constant 0.000000e+00 : f32
        %neg3A_130 = vector.broadcast %neg3A : f32 to vector<16xf32>
        %neg3A_131 = arith.subf %neg3A_130, %get3A_129 : vector<16xf32>
        %exp3A = math.exp %neg3A_131 : vector<16xf32>
        %add3A_132 = arith.constant 1.000000e+00 : f32
        %add3A_133 = vector.broadcast %add3A_132 : f32 to vector<16xf32>
        %add3A_134 = arith.addf %add3A_133, %exp3A : vector<16xf32>
        %div3A = arith.constant 3.200000e+01 : f32
        %div3A_135 = vector.broadcast %div3A : f32 to vector<16xf32>
        %div3A_136 = arith.divf %div3A_135, %add3A_134 : vector<16xf32>
        %convert_element_type3A_137 = arith.fptosi %div3A_136 : vector<16xf32> to vector<16xi32>
        %min3A = arith.constant 31 : i32
        %min3A_138 = vector.broadcast %min3A : i32 to vector<16xi32>
        %min3A_139 = arith.minsi %convert_element_type3A_137, %min3A_138 : vector<16xi32>
        %shift_left3A = arith.constant 7 : i32
        %shift_left3A_140 = vector.broadcast %shift_left3A : i32 to vector<16xi32>
        %shift_left3A_141 = arith.shli %min3A_139, %shift_left3A_140 : vector<16xi32>
        %add3A_142 = arith.addi %shift_left3A_141, %add3A_14 : vector<16xi32>
        tpu.vector_store_idx %arg5[%add3A_142], %broadcast_in_dim3A_11 {add = true} : memref<4096xf32, #tpu.memory_space<vmem>>[vector<16xi32>], vector<16xf32>,
        %get3A_143 = arith.constant 0 : i32
        %get3A_144 = arith.index_cast %get3A_143 : i32 to index
        %get3A_145 = arith.index_cast %scan3A_124 : i32 to index
        %get3A_146 = arith.constant 16 : index
        %get3A_147 = tpu.vector_load %arg4[%get3A_144, %get3A_145, %get3A_146] {strides = array<i32>} : memref<2x128x128xf32, #tpu.memory_space<vmem>>, vector<16xf32>,
        %neg3A_148 = arith.constant 0.000000e+00 : f32
        %neg3A_149 = vector.broadcast %neg3A_148 : f32 to vector<16xf32>
        %neg3A_150 = arith.subf %neg3A_149, %get3A_147 : vector<16xf32>
        %exp3A_151 = math.exp %neg3A_150 : vector<16xf32>
        %add3A_152 = arith.constant 1.000000e+00 : f32
        %add3A_153 = vector.broadcast %add3A_152 : f32 to vector<16xf32>
        %add3A_154 = arith.addf %add3A_153, %exp3A_151 : vector<16xf32>
        %div3A_155 = arith.constant 3.200000e+01 : f32
        %div3A_156 = vector.broadcast %div3A_155 : f32 to vector<16xf32>
        %div3A_157 = arith.divf %div3A_156, %add3A_154 : vector<16xf32>
        %convert_element_type3A_158 = arith.fptosi %div3A_157 : vector<16xf32> to vector<16xi32>
        %min3A_159 = arith.constant 31 : i32
        %min3A_160 = vector.broadcast %min3A_159 : i32 to vector<16xi32>
        %min3A_161 = arith.minsi %convert_element_type3A_158, %min3A_160 : vector<16xi32>
        %shift_left3A_162 = arith.constant 7 : i32
        %shift_left3A_163 = vector.broadcast %shift_left3A_162 : i32 to vector<16xi32>
        %shift_left3A_164 = arith.shli %min3A_161, %shift_left3A_163 : vector<16xi32>
        %add3A_165 = arith.addi %shift_left3A_164, %add3A_17 : vector<16xi32>
        tpu.vector_store_idx %arg5[%add3A_165], %broadcast_in_dim3A_11 {add = true} : memref<4096xf32, #tpu.memory_space<vmem>>[vector<16xi32>], vector<16xf32>,
        %get3A_166 = arith.constant 0 : i32
        %get3A_167 = arith.index_cast %get3A_166 : i32 to index
        %get3A_168 = arith.index_cast %scan3A_124 : i32 to index
        %get3A_169 = arith.constant 32 : index
        %get3A_170 = tpu.vector_load %arg4[%get3A_167, %get3A_168, %get3A_169] {strides = array<i32>} : memref<2x128x128xf32, #tpu.memory_space<vmem>>, vector<16xf32>,
        %neg3A_171 = arith.constant 0.000000e+00 : f32
        %neg3A_172 = vector.broadcast %neg3A_171 : f32 to vector<16xf32>
        %neg3A_173 = arith.subf %neg3A_172, %get3A_170 : vector<16xf32>
        %exp3A_174 = math.exp %neg3A_173 : vector<16xf32>
        %add3A_175 = arith.constant 1.000000e+00 : f32
        %add3A_176 = vector.broadcast %add3A_175 : f32 to vector<16xf32>
        %add3A_177 = arith.addf %add3A_176, %exp3A_174 : vector<16xf32>
        %div3A_178 = arith.constant 3.200000e+01 : f32
        %div3A_179 = vector.broadcast %div3A_178 : f32 to vector<16xf32>
        %div3A_180 = arith.divf %div3A_179, %add3A_177 : vector<16xf32>
        %convert_element_type3A_181 = arith.fptosi %div3A_180 : vector<16xf32> to vector<16xi32>
        %min3A_182 = arith.constant 31 : i32
        %min3A_183 = vector.broadcast %min3A_182 : i32 to vector<16xi32>
        %min3A_184 = arith.minsi %convert_element_type3A_181, %min3A_183 : vector<16xi32>
        %shift_left3A_185 = arith.constant 7 : i32
        %shift_left3A_186 = vector.broadcast %shift_left3A_185 : i32 to vector<16xi32>
        %shift_left3A_187 = arith.shli %min3A_184, %shift_left3A_186 : vector<16xi32>
        %add3A_188 = arith.addi %shift_left3A_187, %add3A_20 : vector<16xi32>
        tpu.vector_store_idx %arg5[%add3A_188], %broadcast_in_dim3A_11 {add = true} : memref<4096xf32, #tpu.memory_space<vmem>>[vector<16xi32>], vector<16xf32>,
        %get3A_189 = arith.constant 0 : i32
        %get3A_190 = arith.index_cast %get3A_189 : i32 to index
        %get3A_191 = arith.index_cast %scan3A_124 : i32 to index
        %get3A_192 = arith.constant 48 : index
        %get3A_193 = tpu.vector_load %arg4[%get3A_190, %get3A_191, %get3A_192] {strides = array<i32>} : memref<2x128x128xf32, #tpu.memory_space<vmem>>, vector<16xf32>,
        %neg3A_194 = arith.constant 0.000000e+00 : f32
        %neg3A_195 = vector.broadcast %neg3A_194 : f32 to vector<16xf32>
        %neg3A_196 = arith.subf %neg3A_195, %get3A_193 : vector<16xf32>
        %exp3A_197 = math.exp %neg3A_196 : vector<16xf32>
        %add3A_198 = arith.constant 1.000000e+00 : f32
        %add3A_199 = vector.broadcast %add3A_198 : f32 to vector<16xf32>
        %add3A_200 = arith.addf %add3A_199, %exp3A_197 : vector<16xf32>
        %div3A_201 = arith.constant 3.200000e+01 : f32
        %div3A_202 = vector.broadcast %div3A_201 : f32 to vector<16xf32>
        %div3A_203 = arith.divf %div3A_202, %add3A_200 : vector<16xf32>
        %convert_element_type3A_204 = arith.fptosi %div3A_203 : vector<16xf32> to vector<16xi32>
        %min3A_205 = arith.constant 31 : i32
        %min3A_206 = vector.broadcast %min3A_205 : i32 to vector<16xi32>
        %min3A_207 = arith.minsi %convert_element_type3A_204, %min3A_206 : vector<16xi32>
        %shift_left3A_208 = arith.constant 7 : i32
        %shift_left3A_209 = vector.broadcast %shift_left3A_208 : i32 to vector<16xi32>
        %shift_left3A_210 = arith.shli %min3A_207, %shift_left3A_209 : vector<16xi32>
        %add3A_211 = arith.addi %shift_left3A_210, %add3A_23 : vector<16xi32>
        tpu.vector_store_idx %arg5[%add3A_211], %broadcast_in_dim3A_11 {add = true} : memref<4096xf32, #tpu.memory_space<vmem>>[vector<16xi32>], vector<16xf32>,
        %get3A_212 = arith.constant 0 : i32
        %get3A_213 = arith.index_cast %get3A_212 : i32 to index
        %get3A_214 = arith.index_cast %scan3A_124 : i32 to index
        %get3A_215 = arith.constant 64 : index
        %get3A_216 = tpu.vector_load %arg4[%get3A_213, %get3A_214, %get3A_215] {strides = array<i32>} : memref<2x128x128xf32, #tpu.memory_space<vmem>>, vector<16xf32>,
        %neg3A_217 = arith.constant 0.000000e+00 : f32
        %neg3A_218 = vector.broadcast %neg3A_217 : f32 to vector<16xf32>
        %neg3A_219 = arith.subf %neg3A_218, %get3A_216 : vector<16xf32>
        %exp3A_220 = math.exp %neg3A_219 : vector<16xf32>
        %add3A_221 = arith.constant 1.000000e+00 : f32
        %add3A_222 = vector.broadcast %add3A_221 : f32 to vector<16xf32>
        %add3A_223 = arith.addf %add3A_222, %exp3A_220 : vector<16xf32>
        %div3A_224 = arith.constant 3.200000e+01 : f32
        %div3A_225 = vector.broadcast %div3A_224 : f32 to vector<16xf32>
        %div3A_226 = arith.divf %div3A_225, %add3A_223 : vector<16xf32>
        %convert_element_type3A_227 = arith.fptosi %div3A_226 : vector<16xf32> to vector<16xi32>
        %min3A_228 = arith.constant 31 : i32
        %min3A_229 = vector.broadcast %min3A_228 : i32 to vector<16xi32>
        %min3A_230 = arith.minsi %convert_element_type3A_227, %min3A_229 : vector<16xi32>
        %shift_left3A_231 = arith.constant 7 : i32
        %shift_left3A_232 = vector.broadcast %shift_left3A_231 : i32 to vector<16xi32>
        %shift_left3A_233 = arith.shli %min3A_230, %shift_left3A_232 : vector<16xi32>
        %add3A_234 = arith.addi %shift_left3A_233, %add3A_26 : vector<16xi32>
        tpu.vector_store_idx %arg5[%add3A_234], %broadcast_in_dim3A_11 {add = true} : memref<4096xf32, #tpu.memory_space<vmem>>[vector<16xi32>], vector<16xf32>,
        %get3A_235 = arith.constant 0 : i32
        %get3A_236 = arith.index_cast %get3A_235 : i32 to index
        %get3A_237 = arith.index_cast %scan3A_124 : i32 to index
        %get3A_238 = arith.constant 80 : index
        %get3A_239 = tpu.vector_load %arg4[%get3A_236, %get3A_237, %get3A_238] {strides = array<i32>} : memref<2x128x128xf32, #tpu.memory_space<vmem>>, vector<16xf32>,
        %neg3A_240 = arith.constant 0.000000e+00 : f32
        %neg3A_241 = vector.broadcast %neg3A_240 : f32 to vector<16xf32>
        %neg3A_242 = arith.subf %neg3A_241, %get3A_239 : vector<16xf32>
        %exp3A_243 = math.exp %neg3A_242 : vector<16xf32>
        %add3A_244 = arith.constant 1.000000e+00 : f32
        %add3A_245 = vector.broadcast %add3A_244 : f32 to vector<16xf32>
        %add3A_246 = arith.addf %add3A_245, %exp3A_243 : vector<16xf32>
        %div3A_247 = arith.constant 3.200000e+01 : f32
        %div3A_248 = vector.broadcast %div3A_247 : f32 to vector<16xf32>
        %div3A_249 = arith.divf %div3A_248, %add3A_246 : vector<16xf32>
        %convert_element_type3A_250 = arith.fptosi %div3A_249 : vector<16xf32> to vector<16xi32>
        %min3A_251 = arith.constant 31 : i32
        %min3A_252 = vector.broadcast %min3A_251 : i32 to vector<16xi32>
        %min3A_253 = arith.minsi %convert_element_type3A_250, %min3A_252 : vector<16xi32>
        %shift_left3A_254 = arith.constant 7 : i32
        %shift_left3A_255 = vector.broadcast %shift_left3A_254 : i32 to vector<16xi32>
        %shift_left3A_256 = arith.shli %min3A_253, %shift_left3A_255 : vector<16xi32>
        %add3A_257 = arith.addi %shift_left3A_256, %add3A_29 : vector<16xi32>
        tpu.vector_store_idx %arg5[%add3A_257], %broadcast_in_dim3A_11 {add = true} : memref<4096xf32, #tpu.memory_space<vmem>>[vector<16xi32>], vector<16xf32>,
        %get3A_258 = arith.constant 0 : i32
        %get3A_259 = arith.index_cast %get3A_258 : i32 to index
        %get3A_260 = arith.index_cast %scan3A_124 : i32 to index
        %get3A_261 = arith.constant 96 : index
        %get3A_262 = tpu.vector_load %arg4[%get3A_259, %get3A_260, %get3A_261] {strides = array<i32>} : memref<2x128x128xf32, #tpu.memory_space<vmem>>, vector<16xf32>,
        %neg3A_263 = arith.constant 0.000000e+00 : f32
        %neg3A_264 = vector.broadcast %neg3A_263 : f32 to vector<16xf32>
        %neg3A_265 = arith.subf %neg3A_264, %get3A_262 : vector<16xf32>
        %exp3A_266 = math.exp %neg3A_265 : vector<16xf32>
        %add3A_267 = arith.constant 1.000000e+00 : f32
        %add3A_268 = vector.broadcast %add3A_267 : f32 to vector<16xf32>
        %add3A_269 = arith.addf %add3A_268, %exp3A_266 : vector<16xf32>
        %div3A_270 = arith.constant 3.200000e+01 : f32
        %div3A_271 = vector.broadcast %div3A_270 : f32 to vector<16xf32>
        %div3A_272 = arith.divf %div3A_271, %add3A_269 : vector<16xf32>
        %convert_element_type3A_273 = arith.fptosi %div3A_272 : vector<16xf32> to vector<16xi32>
        %min3A_274 = arith.constant 31 : i32
        %min3A_275 = vector.broadcast %min3A_274 : i32 to vector<16xi32>
        %min3A_276 = arith.minsi %convert_element_type3A_273, %min3A_275 : vector<16xi32>
        %shift_left3A_277 = arith.constant 7 : i32
        %shift_left3A_278 = vector.broadcast %shift_left3A_277 : i32 to vector<16xi32>
        %shift_left3A_279 = arith.shli %min3A_276, %shift_left3A_278 : vector<16xi32>
        %add3A_280 = arith.addi %shift_left3A_279, %add3A_32 : vector<16xi32>
        tpu.vector_store_idx %arg5[%add3A_280], %broadcast_in_dim3A_11 {add = true} : memref<4096xf32, #tpu.memory_space<vmem>>[vector<16xi32>], vector<16xf32>,
        %get3A_281 = arith.constant 0 : i32
        %get3A_282 = arith.index_cast %get3A_281 : i32 to index
        %get3A_283 = arith.index_cast %scan3A_124 : i32 to index
        %get3A_284 = arith.constant 112 : index
        %get3A_285 = tpu.vector_load %arg4[%get3A_282, %get3A_283, %get3A_284] {strides = array<i32>} : memref<2x128x128xf32, #tpu.memory_space<vmem>>, vector<16xf32>,
        %neg3A_286 = arith.constant 0.000000e+00 : f32
        %neg3A_287 = vector.broadcast %neg3A_286 : f32 to vector<16xf32>
        %neg3A_288 = arith.subf %neg3A_287, %get3A_285 : vector<16xf32>
        %exp3A_289 = math.exp %neg3A_288 : vector<16xf32>
        %add3A_290 = arith.constant 1.000000e+00 : f32
        %add3A_291 = vector.broadcast %add3A_290 : f32 to vector<16xf32>
        %add3A_292 = arith.addf %add3A_291, %exp3A_289 : vector<16xf32>
        %div3A_293 = arith.constant 3.200000e+01 : f32
        %div3A_294 = vector.broadcast %div3A_293 : f32 to vector<16xf32>
        %div3A_295 = arith.divf %div3A_294, %add3A_292 : vector<16xf32>
        %convert_element_type3A_296 = arith.fptosi %div3A_295 : vector<16xf32> to vector<16xi32>
        %min3A_297 = arith.constant 31 : i32
        %min3A_298 = vector.broadcast %min3A_297 : i32 to vector<16xi32>
        %min3A_299 = arith.minsi %convert_element_type3A_296, %min3A_298 : vector<16xi32>
        %shift_left3A_300 = arith.constant 7 : i32
        %shift_left3A_301 = vector.broadcast %shift_left3A_300 : i32 to vector<16xi32>
        %shift_left3A_302 = arith.shli %min3A_299, %shift_left3A_301 : vector<16xi32>
        %add3A_303 = arith.addi %shift_left3A_302, %add3A_35 : vector<16xi32>
        tpu.vector_store_idx %arg5[%add3A_303], %broadcast_in_dim3A_11 {add = true} : memref<4096xf32, #tpu.memory_space<vmem>>[vector<16xi32>], vector<16xf32>,
        %scan3A_304 = arith.constant 0 : i32
        scf.yield %scan3A_304 : i32
      }
      %scan3A_88 = arith.constant 128 : i32
      %mul3A_89 = arith.constant 2 : i32
      %mul3A_90 = arith.muli %mul3A_89, %scan3A_57 : i32
      %add3A_91 = arith.constant 1 : i32
      %add3A_92 = arith.addi %mul3A_90, %add3A_91 : i32
      %add3A_93 = arith.constant 1 : i32
      %add3A_94 = arith.addi %add3A_92, %add3A_93 : i32
      %lt3A_95 = arith.constant 64 : i32
      %lt3A_96 = arith.cmpi slt, %add3A_94, %lt3A_95 : i32
      %convert_element_type3A_97 = arith.extui %lt3A_96 : i1 to i32
      %cond3A_98 = arith.constant 0 : i32
      %cond3A_99 = arith.cmpi ne, %convert_element_type3A_97, %cond3A_98 : i32
      scf.if %cond3A_99 {
        %mul3A_124 = arith.constant 128 : i32
        %mul3A_125 = arith.muli %add3A_94, %mul3A_124 : i32
        %add3A_126 = arith.addi %mul3A_2, %mul3A_125 : i32
        %dma_start3A_127 = arith.constant 0 : i32
        %dma_start3A_128 = arith.constant 0 : i32
        %dma_start3A_129 = arith.constant 0 : i32
        %dma_start3A_130 = tpu.memref_slice %arg4[%dma_start3A_127, %dma_start3A_128, %dma_start3A_129] : memref<2x128x128xf32, #tpu.memory_space<vmem>> -> memref<1x128x128xf32, #tpu.memory_space<vmem>>
        %dma_start3A_131 = tpu.memref_squeeze %dma_start3A_130 : memref<1x128x128xf32, #tpu.memory_space<vmem>> -> memref<128x128xf32, #tpu.memory_space<vmem>>
        %dma_start3A_132 = arith.constant 0 : i32
        %dma_start3A_133 = tpu.memref_slice %arg2[%add3A_126, %dma_start3A_132] : memref<262144x128xf32, #tpu.memory_space<hbm>> -> memref<128x128xf32, #tpu.memory_space<hbm>>
        %dma_start3A_134 = arith.constant 0 : i32
        %dma_start3A_135 = arith.constant 0 : i32
        %dma_start3A_136 = tpu.memref_slice %arg4[%dma_start3A_127, %dma_start3A_134, %dma_start3A_135] : memref<2x128x128xf32, #tpu.memory_space<vmem>> -> memref<1x128x128xf32, #tpu.memory_space<vmem>>
        %dma_start3A_137 = tpu.memref_squeeze %dma_start3A_136 : memref<1x128x128xf32, #tpu.memory_space<vmem>> -> memref<128x128xf32, #tpu.memory_space<vmem>>
        %dma_start3A_138 = arith.constant 0 : i32
        %dma_start3A_139 = tpu.memref_slice %arg2[%add3A_126, %dma_start3A_138] : memref<262144x128xf32, #tpu.memory_space<hbm>> -> memref<128x128xf32, #tpu.memory_space<hbm>>
        tpu.enqueue_dma source(%dma_start3A_139 : memref<128x128xf32, #tpu.memory_space<hbm>>) target(%dma_start3A_137 : memref<128x128xf32, #tpu.memory_space<vmem>>) target_semaphore(%arg6 : memref<!tpu.dma_semaphore, #tpu.memory_space<semaphore_mem>>)
      } else {
      }
      %mul3A_100 = arith.constant 128 : i32
      %mul3A_101 = arith.muli %add3A_92, %mul3A_100 : i32
      %add3A_102 = arith.addi %mul3A_2, %mul3A_101 : i32
      %dma_wait3A_103 = arith.constant 1 : i32
      %dma_wait3A_104 = arith.constant 0 : i32
      %dma_wait3A_105 = arith.constant 0 : i32
      %dma_wait3A_106 = tpu.memref_slice %arg4[%dma_wait3A_103, %dma_wait3A_104, %dma_wait3A_105] : memref<2x128x128xf32, #tpu.memory_space<vmem>> -> memref<1x128x128xf32, #tpu.memory_space<vmem>>
      %dma_wait3A_107 = tpu.memref_squeeze %dma_wait3A_106 : memref<1x128x128xf32, #tpu.memory_space<vmem>> -> memref<128x128xf32, #tpu.memory_space<vmem>>
      %dma_wait3A_108 = arith.constant 0 : i32
      %dma_wait3A_109 = tpu.memref_slice %arg2[%add3A_102, %dma_wait3A_108] : memref<262144x128xf32, #tpu.memory_space<hbm>> -> memref<128x128xf32, #tpu.memory_space<hbm>>
      %dma_wait3A_110 = arith.constant 0 : i32
      %dma_wait3A_111 = arith.constant 0 : i32
      %dma_wait3A_112 = tpu.memref_slice %arg4[%dma_wait3A_103, %dma_wait3A_110, %dma_wait3A_111] : memref<2x128x128xf32, #tpu.memory_space<vmem>> -> memref<1x128x128xf32, #tpu.memory_space<vmem>>
      %dma_wait3A_113 = tpu.memref_squeeze %dma_wait3A_112 : memref<1x128x128xf32, #tpu.memory_space<vmem>> -> memref<128x128xf32, #tpu.memory_space<vmem>>
      %dma_wait3A_114 = arith.constant 0 : i32
      %dma_wait3A_115 = tpu.memref_slice %arg2[%add3A_102, %dma_wait3A_114] : memref<262144x128xf32, #tpu.memory_space<hbm>> -> memref<128x128xf32, #tpu.memory_space<hbm>>
      tpu.wait_dma2 semaphore(%arg7 : memref<!tpu.dma_semaphore, #tpu.memory_space<semaphore_mem>>) src(%dma_wait3A_115 : memref<128x128xf32, #tpu.memory_space<hbm>>) dst(%dma_wait3A_113 : memref<128x128xf32, #tpu.memory_space<vmem>>)
      %scan3A_116 = arith.constant 0 : i32
      %scan3A_117 = arith.constant 0 : i32
      %scan3A_118 = arith.constant 128 : i32
      %scan3A_119 = arith.addi %scan3A_117, %scan3A_118 : i32
      %scan3A_120 = arith.constant 1 : i32
      %scan3A_121 = scf.for %scan3A_124 = %scan3A_117 to %scan3A_119 step %scan3A_120 iter_args(%scan3A_125 = %scan3A_116) -> (i32)  : i32 {
        %get3A = arith.constant 1 : i32
        %get3A_126 = arith.index_cast %get3A : i32 to index
        %get3A_127 = arith.index_cast %scan3A_124 : i32 to index
        %get3A_128 = arith.constant 0 : index
        %get3A_129 = tpu.vector_load %arg4[%get3A_126, %get3A_127, %get3A_128] {strides = array<i32>} : memref<2x128x128xf32, #tpu.memory_space<vmem>>, vector<16xf32>,
        %neg3A = arith.constant 0.000000e+00 : f32
        %neg3A_130 = vector.broadcast %neg3A : f32 to vector<16xf32>
        %neg3A_131 = arith.subf %neg3A_130, %get3A_129 : vector<16xf32>
        %exp3A = math.exp %neg3A_131 : vector<16xf32>
        %add3A_132 = arith.constant 1.000000e+00 : f32
        %add3A_133 = vector.broadcast %add3A_132 : f32 to vector<16xf32>
        %add3A_134 = arith.addf %add3A_133, %exp3A : vector<16xf32>
        %div3A = arith.constant 3.200000e+01 : f32
        %div3A_135 = vector.broadcast %div3A : f32 to vector<16xf32>
        %div3A_136 = arith.divf %div3A_135, %add3A_134 : vector<16xf32>
        %convert_element_type3A_137 = arith.fptosi %div3A_136 : vector<16xf32> to vector<16xi32>
        %min3A = arith.constant 31 : i32
        %min3A_138 = vector.broadcast %min3A : i32 to vector<16xi32>
        %min3A_139 = arith.minsi %convert_element_type3A_137, %min3A_138 : vector<16xi32>
        %shift_left3A = arith.constant 7 : i32
        %shift_left3A_140 = vector.broadcast %shift_left3A : i32 to vector<16xi32>
        %shift_left3A_141 = arith.shli %min3A_139, %shift_left3A_140 : vector<16xi32>
        %add3A_142 = arith.addi %shift_left3A_141, %add3A_14 : vector<16xi32>
        tpu.vector_store_idx %arg5[%add3A_142], %broadcast_in_dim3A_11 {add = true} : memref<4096xf32, #tpu.memory_space<vmem>>[vector<16xi32>], vector<16xf32>,
        %get3A_143 = arith.constant 1 : i32
        %get3A_144 = arith.index_cast %get3A_143 : i32 to index
        %get3A_145 = arith.index_cast %scan3A_124 : i32 to index
        %get3A_146 = arith.constant 16 : index
        %get3A_147 = tpu.vector_load %arg4[%get3A_144, %get3A_145, %get3A_146] {strides = array<i32>} : memref<2x128x128xf32, #tpu.memory_space<vmem>>, vector<16xf32>,
        %neg3A_148 = arith.constant 0.000000e+00 : f32
        %neg3A_149 = vector.broadcast %neg3A_148 : f32 to vector<16xf32>
        %neg3A_150 = arith.subf %neg3A_149, %get3A_147 : vector<16xf32>
        %exp3A_151 = math.exp %neg3A_150 : vector<16xf32>
        %add3A_152 = arith.constant 1.000000e+00 : f32
        %add3A_153 = vector.broadcast %add3A_152 : f32 to vector<16xf32>
        %add3A_154 = arith.addf %add3A_153, %exp3A_151 : vector<16xf32>
        %div3A_155 = arith.constant 3.200000e+01 : f32
        %div3A_156 = vector.broadcast %div3A_155 : f32 to vector<16xf32>
        %div3A_157 = arith.divf %div3A_156, %add3A_154 : vector<16xf32>
        %convert_element_type3A_158 = arith.fptosi %div3A_157 : vector<16xf32> to vector<16xi32>
        %min3A_159 = arith.constant 31 : i32
        %min3A_160 = vector.broadcast %min3A_159 : i32 to vector<16xi32>
        %min3A_161 = arith.minsi %convert_element_type3A_158, %min3A_160 : vector<16xi32>
        %shift_left3A_162 = arith.constant 7 : i32
        %shift_left3A_163 = vector.broadcast %shift_left3A_162 : i32 to vector<16xi32>
        %shift_left3A_164 = arith.shli %min3A_161, %shift_left3A_163 : vector<16xi32>
        %add3A_165 = arith.addi %shift_left3A_164, %add3A_17 : vector<16xi32>
        tpu.vector_store_idx %arg5[%add3A_165], %broadcast_in_dim3A_11 {add = true} : memref<4096xf32, #tpu.memory_space<vmem>>[vector<16xi32>], vector<16xf32>,
        %get3A_166 = arith.constant 1 : i32
        %get3A_167 = arith.index_cast %get3A_166 : i32 to index
        %get3A_168 = arith.index_cast %scan3A_124 : i32 to index
        %get3A_169 = arith.constant 32 : index
        %get3A_170 = tpu.vector_load %arg4[%get3A_167, %get3A_168, %get3A_169] {strides = array<i32>} : memref<2x128x128xf32, #tpu.memory_space<vmem>>, vector<16xf32>,
        %neg3A_171 = arith.constant 0.000000e+00 : f32
        %neg3A_172 = vector.broadcast %neg3A_171 : f32 to vector<16xf32>
        %neg3A_173 = arith.subf %neg3A_172, %get3A_170 : vector<16xf32>
        %exp3A_174 = math.exp %neg3A_173 : vector<16xf32>
        %add3A_175 = arith.constant 1.000000e+00 : f32
        %add3A_176 = vector.broadcast %add3A_175 : f32 to vector<16xf32>
        %add3A_177 = arith.addf %add3A_176, %exp3A_174 : vector<16xf32>
        %div3A_178 = arith.constant 3.200000e+01 : f32
        %div3A_179 = vector.broadcast %div3A_178 : f32 to vector<16xf32>
        %div3A_180 = arith.divf %div3A_179, %add3A_177 : vector<16xf32>
        %convert_element_type3A_181 = arith.fptosi %div3A_180 : vector<16xf32> to vector<16xi32>
        %min3A_182 = arith.constant 31 : i32
        %min3A_183 = vector.broadcast %min3A_182 : i32 to vector<16xi32>
        %min3A_184 = arith.minsi %convert_element_type3A_181, %min3A_183 : vector<16xi32>
        %shift_left3A_185 = arith.constant 7 : i32
        %shift_left3A_186 = vector.broadcast %shift_left3A_185 : i32 to vector<16xi32>
        %shift_left3A_187 = arith.shli %min3A_184, %shift_left3A_186 : vector<16xi32>
        %add3A_188 = arith.addi %shift_left3A_187, %add3A_20 : vector<16xi32>
        tpu.vector_store_idx %arg5[%add3A_188], %broadcast_in_dim3A_11 {add = true} : memref<4096xf32, #tpu.memory_space<vmem>>[vector<16xi32>], vector<16xf32>,
        %get3A_189 = arith.constant 1 : i32
        %get3A_190 = arith.index_cast %get3A_189 : i32 to index
        %get3A_191 = arith.index_cast %scan3A_124 : i32 to index
        %get3A_192 = arith.constant 48 : index
        %get3A_193 = tpu.vector_load %arg4[%get3A_190, %get3A_191, %get3A_192] {strides = array<i32>} : memref<2x128x128xf32, #tpu.memory_space<vmem>>, vector<16xf32>,
        %neg3A_194 = arith.constant 0.000000e+00 : f32
        %neg3A_195 = vector.broadcast %neg3A_194 : f32 to vector<16xf32>
        %neg3A_196 = arith.subf %neg3A_195, %get3A_193 : vector<16xf32>
        %exp3A_197 = math.exp %neg3A_196 : vector<16xf32>
        %add3A_198 = arith.constant 1.000000e+00 : f32
        %add3A_199 = vector.broadcast %add3A_198 : f32 to vector<16xf32>
        %add3A_200 = arith.addf %add3A_199, %exp3A_197 : vector<16xf32>
        %div3A_201 = arith.constant 3.200000e+01 : f32
        %div3A_202 = vector.broadcast %div3A_201 : f32 to vector<16xf32>
        %div3A_203 = arith.divf %div3A_202, %add3A_200 : vector<16xf32>
        %convert_element_type3A_204 = arith.fptosi %div3A_203 : vector<16xf32> to vector<16xi32>
        %min3A_205 = arith.constant 31 : i32
        %min3A_206 = vector.broadcast %min3A_205 : i32 to vector<16xi32>
        %min3A_207 = arith.minsi %convert_element_type3A_204, %min3A_206 : vector<16xi32>
        %shift_left3A_208 = arith.constant 7 : i32
        %shift_left3A_209 = vector.broadcast %shift_left3A_208 : i32 to vector<16xi32>
        %shift_left3A_210 = arith.shli %min3A_207, %shift_left3A_209 : vector<16xi32>
        %add3A_211 = arith.addi %shift_left3A_210, %add3A_23 : vector<16xi32>
        tpu.vector_store_idx %arg5[%add3A_211], %broadcast_in_dim3A_11 {add = true} : memref<4096xf32, #tpu.memory_space<vmem>>[vector<16xi32>], vector<16xf32>,
        %get3A_212 = arith.constant 1 : i32
        %get3A_213 = arith.index_cast %get3A_212 : i32 to index
        %get3A_214 = arith.index_cast %scan3A_124 : i32 to index
        %get3A_215 = arith.constant 64 : index
        %get3A_216 = tpu.vector_load %arg4[%get3A_213, %get3A_214, %get3A_215] {strides = array<i32>} : memref<2x128x128xf32, #tpu.memory_space<vmem>>, vector<16xf32>,
        %neg3A_217 = arith.constant 0.000000e+00 : f32
        %neg3A_218 = vector.broadcast %neg3A_217 : f32 to vector<16xf32>
        %neg3A_219 = arith.subf %neg3A_218, %get3A_216 : vector<16xf32>
        %exp3A_220 = math.exp %neg3A_219 : vector<16xf32>
        %add3A_221 = arith.constant 1.000000e+00 : f32
        %add3A_222 = vector.broadcast %add3A_221 : f32 to vector<16xf32>
        %add3A_223 = arith.addf %add3A_222, %exp3A_220 : vector<16xf32>
        %div3A_224 = arith.constant 3.200000e+01 : f32
        %div3A_225 = vector.broadcast %div3A_224 : f32 to vector<16xf32>
        %div3A_226 = arith.divf %div3A_225, %add3A_223 : vector<16xf32>
        %convert_element_type3A_227 = arith.fptosi %div3A_226 : vector<16xf32> to vector<16xi32>
        %min3A_228 = arith.constant 31 : i32
        %min3A_229 = vector.broadcast %min3A_228 : i32 to vector<16xi32>
        %min3A_230 = arith.minsi %convert_element_type3A_227, %min3A_229 : vector<16xi32>
        %shift_left3A_231 = arith.constant 7 : i32
        %shift_left3A_232 = vector.broadcast %shift_left3A_231 : i32 to vector<16xi32>
        %shift_left3A_233 = arith.shli %min3A_230, %shift_left3A_232 : vector<16xi32>
        %add3A_234 = arith.addi %shift_left3A_233, %add3A_26 : vector<16xi32>
        tpu.vector_store_idx %arg5[%add3A_234], %broadcast_in_dim3A_11 {add = true} : memref<4096xf32, #tpu.memory_space<vmem>>[vector<16xi32>], vector<16xf32>,
        %get3A_235 = arith.constant 1 : i32
        %get3A_236 = arith.index_cast %get3A_235 : i32 to index
        %get3A_237 = arith.index_cast %scan3A_124 : i32 to index
        %get3A_238 = arith.constant 80 : index
        %get3A_239 = tpu.vector_load %arg4[%get3A_236, %get3A_237, %get3A_238] {strides = array<i32>} : memref<2x128x128xf32, #tpu.memory_space<vmem>>, vector<16xf32>,
        %neg3A_240 = arith.constant 0.000000e+00 : f32
        %neg3A_241 = vector.broadcast %neg3A_240 : f32 to vector<16xf32>
        %neg3A_242 = arith.subf %neg3A_241, %get3A_239 : vector<16xf32>
        %exp3A_243 = math.exp %neg3A_242 : vector<16xf32>
        %add3A_244 = arith.constant 1.000000e+00 : f32
        %add3A_245 = vector.broadcast %add3A_244 : f32 to vector<16xf32>
        %add3A_246 = arith.addf %add3A_245, %exp3A_243 : vector<16xf32>
        %div3A_247 = arith.constant 3.200000e+01 : f32
        %div3A_248 = vector.broadcast %div3A_247 : f32 to vector<16xf32>
        %div3A_249 = arith.divf %div3A_248, %add3A_246 : vector<16xf32>
        %convert_element_type3A_250 = arith.fptosi %div3A_249 : vector<16xf32> to vector<16xi32>
        %min3A_251 = arith.constant 31 : i32
        %min3A_252 = vector.broadcast %min3A_251 : i32 to vector<16xi32>
        %min3A_253 = arith.minsi %convert_element_type3A_250, %min3A_252 : vector<16xi32>
        %shift_left3A_254 = arith.constant 7 : i32
        %shift_left3A_255 = vector.broadcast %shift_left3A_254 : i32 to vector<16xi32>
        %shift_left3A_256 = arith.shli %min3A_253, %shift_left3A_255 : vector<16xi32>
        %add3A_257 = arith.addi %shift_left3A_256, %add3A_29 : vector<16xi32>
        tpu.vector_store_idx %arg5[%add3A_257], %broadcast_in_dim3A_11 {add = true} : memref<4096xf32, #tpu.memory_space<vmem>>[vector<16xi32>], vector<16xf32>,
        %get3A_258 = arith.constant 1 : i32
        %get3A_259 = arith.index_cast %get3A_258 : i32 to index
        %get3A_260 = arith.index_cast %scan3A_124 : i32 to index
        %get3A_261 = arith.constant 96 : index
        %get3A_262 = tpu.vector_load %arg4[%get3A_259, %get3A_260, %get3A_261] {strides = array<i32>} : memref<2x128x128xf32, #tpu.memory_space<vmem>>, vector<16xf32>,
        %neg3A_263 = arith.constant 0.000000e+00 : f32
        %neg3A_264 = vector.broadcast %neg3A_263 : f32 to vector<16xf32>
        %neg3A_265 = arith.subf %neg3A_264, %get3A_262 : vector<16xf32>
        %exp3A_266 = math.exp %neg3A_265 : vector<16xf32>
        %add3A_267 = arith.constant 1.000000e+00 : f32
        %add3A_268 = vector.broadcast %add3A_267 : f32 to vector<16xf32>
        %add3A_269 = arith.addf %add3A_268, %exp3A_266 : vector<16xf32>
        %div3A_270 = arith.constant 3.200000e+01 : f32
        %div3A_271 = vector.broadcast %div3A_270 : f32 to vector<16xf32>
        %div3A_272 = arith.divf %div3A_271, %add3A_269 : vector<16xf32>
        %convert_element_type3A_273 = arith.fptosi %div3A_272 : vector<16xf32> to vector<16xi32>
        %min3A_274 = arith.constant 31 : i32
        %min3A_275 = vector.broadcast %min3A_274 : i32 to vector<16xi32>
        %min3A_276 = arith.minsi %convert_element_type3A_273, %min3A_275 : vector<16xi32>
        %shift_left3A_277 = arith.constant 7 : i32
        %shift_left3A_278 = vector.broadcast %shift_left3A_277 : i32 to vector<16xi32>
        %shift_left3A_279 = arith.shli %min3A_276, %shift_left3A_278 : vector<16xi32>
        %add3A_280 = arith.addi %shift_left3A_279, %add3A_32 : vector<16xi32>
        tpu.vector_store_idx %arg5[%add3A_280], %broadcast_in_dim3A_11 {add = true} : memref<4096xf32, #tpu.memory_space<vmem>>[vector<16xi32>], vector<16xf32>,
        %get3A_281 = arith.constant 1 : i32
        %get3A_282 = arith.index_cast %get3A_281 : i32 to index
        %get3A_283 = arith.index_cast %scan3A_124 : i32 to index
        %get3A_284 = arith.constant 112 : index
        %get3A_285 = tpu.vector_load %arg4[%get3A_282, %get3A_283, %get3A_284] {strides = array<i32>} : memref<2x128x128xf32, #tpu.memory_space<vmem>>, vector<16xf32>,
        %neg3A_286 = arith.constant 0.000000e+00 : f32
        %neg3A_287 = vector.broadcast %neg3A_286 : f32 to vector<16xf32>
        %neg3A_288 = arith.subf %neg3A_287, %get3A_285 : vector<16xf32>
        %exp3A_289 = math.exp %neg3A_288 : vector<16xf32>
        %add3A_290 = arith.constant 1.000000e+00 : f32
        %add3A_291 = vector.broadcast %add3A_290 : f32 to vector<16xf32>
        %add3A_292 = arith.addf %add3A_291, %exp3A_289 : vector<16xf32>
        %div3A_293 = arith.constant 3.200000e+01 : f32
        %div3A_294 = vector.broadcast %div3A_293 : f32 to vector<16xf32>
        %div3A_295 = arith.divf %div3A_294, %add3A_292 : vector<16xf32>
        %convert_element_type3A_296 = arith.fptosi %div3A_295 : vector<16xf32> to vector<16xi32>
        %min3A_297 = arith.constant 31 : i32
        %min3A_298 = vector.broadcast %min3A_297 : i32 to vector<16xi32>
        %min3A_299 = arith.minsi %convert_element_type3A_296, %min3A_298 : vector<16xi32>
        %shift_left3A_300 = arith.constant 7 : i32
        %shift_left3A_301 = vector.broadcast %shift_left3A_300 : i32 to vector<16xi32>
        %shift_left3A_302 = arith.shli %min3A_299, %shift_left3A_301 : vector<16xi32>
        %add3A_303 = arith.addi %shift_left3A_302, %add3A_35 : vector<16xi32>
        tpu.vector_store_idx %arg5[%add3A_303], %broadcast_in_dim3A_11 {add = true} : memref<4096xf32, #tpu.memory_space<vmem>>[vector<16xi32>], vector<16xf32>,
        %scan3A_304 = arith.constant 0 : i32
        scf.yield %scan3A_304 : i32
      }
      %scan3A_122 = arith.constant 128 : i32
      %scan3A_123 = arith.constant 0 : i32
      scf.yield %scan3A_123 : i32
    }
    %scan3A_56 = arith.constant 32 : i32
    "tpu.region"() ({
      %run_scoped3A = tpu.sem_alloc : memref<!tpu.dma_semaphore, #tpu.memory_space<semaphore_mem>>
      %dma_start3A_57 = arith.constant 0 : i32
      %dma_start3A_58 = tpu.memref_slice %arg3[%add3A, %dma_start3A_57] : memref<32x4096xf32, #tpu.memory_space<hbm>> -> memref<1x4096xf32, #tpu.memory_space<hbm>>
      %dma_start3A_59 = tpu.memref_squeeze %dma_start3A_58 : memref<1x4096xf32, #tpu.memory_space<hbm>> -> memref<4096xf32, #tpu.memory_space<hbm>>
      %dma_start3A_60 = arith.constant 0 : i32
      %dma_start3A_61 = tpu.memref_slice %arg3[%add3A, %dma_start3A_60] : memref<32x4096xf32, #tpu.memory_space<hbm>> -> memref<1x4096xf32, #tpu.memory_space<hbm>>
      %dma_start3A_62 = tpu.memref_squeeze %dma_start3A_61 : memref<1x4096xf32, #tpu.memory_space<hbm>> -> memref<4096xf32, #tpu.memory_space<hbm>>
      tpu.enqueue_dma source(%arg5 : memref<4096xf32, #tpu.memory_space<vmem>>) target(%dma_start3A_62 : memref<4096xf32, #tpu.memory_space<hbm>>) target_semaphore(%run_scoped3A : memref<!tpu.dma_semaphore, #tpu.memory_space<semaphore_mem>>)
      %dma_wait3A = arith.constant 0 : i32
      %dma_wait3A_63 = tpu.memref_slice %arg3[%add3A, %dma_wait3A] : memref<32x4096xf32, #tpu.memory_space<hbm>> -> memref<1x4096xf32, #tpu.memory_space<hbm>>
      %dma_wait3A_64 = tpu.memref_squeeze %dma_wait3A_63 : memref<1x4096xf32, #tpu.memory_space<hbm>> -> memref<4096xf32, #tpu.memory_space<hbm>>
      %dma_wait3A_65 = arith.constant 0 : i32
      %dma_wait3A_66 = tpu.memref_slice %arg3[%add3A, %dma_wait3A_65] : memref<32x4096xf32, #tpu.memory_space<hbm>> -> memref<1x4096xf32, #tpu.memory_space<hbm>>
      %dma_wait3A_67 = tpu.memref_squeeze %dma_wait3A_66 : memref<1x4096xf32, #tpu.memory_space<hbm>> -> memref<4096xf32, #tpu.memory_space<hbm>>
      tpu.wait_dma2 semaphore(%run_scoped3A : memref<!tpu.dma_semaphore, #tpu.memory_space<semaphore_mem>>) src(%arg5 : memref<4096xf32, #tpu.memory_space<vmem>>) dst(%dma_wait3A_67 : memref<4096xf32, #tpu.memory_space<hbm>>)
      tpu.yield
    }) : () -> ()
    return
  }
}

module attributes {stable_mosaic.version = 14 : i64} {
  func.func @body(%arg0: memref<1024x128xf32, #tpu.memory_space<vmem>>, %arg1: memref<128x32xf32, #tpu.memory_space<vmem>>) attributes {dimension_semantics = [], scalar_prefetch = 0 : i64, scratch_operands = 0 : i64, tpu.core_type = #tpu.core_type<tc>} {
    %get3A = arith.constant 0 : index
    %get3A_0 = arith.constant 0 : index
    %get3A_1 = vector.load %arg0[%get3A, %get3A_0] : memref<1024x128xf32, #tpu.memory_space<vmem>>, vector<1024x128xf32>
    %iota3A = tpu.iota {dimensions = array<i32: 0>} : vector<1024x32xi32>
    %iota3A_2 = tpu.iota {dimensions = array<i32: 1>} : vector<1024x32xi32>
    %jit3A = arith.constant 32 : i32
    %eq3A = arith.constant 0 : i32
    %eq3A_3 = arith.cmpi eq, %jit3A, %eq3A : i32
    %jit3A_4 = arith.constant 1 : i32
    %select_n3A = arith.select %eq3A_3, %jit3A_4, %jit3A : i32
    %rem3A = vector.broadcast %select_n3A : i32 to vector<1024x32xi32>
    %rem3A_5 = arith.remsi %iota3A, %rem3A : vector<1024x32xi32>
    %ne3A = arith.constant 0 : i32
    %ne3A_6 = vector.broadcast %ne3A : i32 to vector<1024x32xi32>
    %ne3A_7 = arith.cmpi ne, %rem3A_5, %ne3A_6 : vector<1024x32xi32>
    %lt3A = arith.constant 0 : i32
    %lt3A_8 = vector.broadcast %lt3A : i32 to vector<1024x32xi32>
    %lt3A_9 = arith.cmpi slt, %rem3A_5, %lt3A_8 : vector<1024x32xi32>
    %lt3A_10 = arith.constant 0 : i32
    %lt3A_11 = arith.cmpi slt, %select_n3A, %lt3A_10 : i32
    %ne3A_12 = vector.broadcast %lt3A_11 : i1 to vector<1024x32xi1>
    %ne3A_13 = vector.broadcast %ne3A_12 : vector<1024x32xi1> to vector<1024x32xi1>
    %ne3A_14 = arith.xori %lt3A_9, %ne3A_13 : vector<1024x32xi1>
    %and3A = arith.andi %ne3A_14, %ne3A_7 : vector<1024x32xi1>
    %add3A = vector.broadcast %select_n3A : i32 to vector<1024x32xi32>
    %add3A_15 = arith.addi %rem3A_5, %add3A : vector<1024x32xi32>
    %select_n3A_16 = arith.select %and3A, %add3A_15, %rem3A_5 : vector<1024x32xi1>, vector<1024x32xi32>
    %eq3A_17 = arith.cmpi eq, %select_n3A_16, %iota3A_2 : vector<1024x32xi32>
    %jit3A_18 = arith.constant 1.000000e+00 : f32
    %jit3A_19 = arith.constant 0.000000e+00 : f32
    %broadcast_in_dim3A = vector.broadcast %jit3A_18 : f32 to vector<1024x32xf32>
    %broadcast_in_dim3A_20 = vector.broadcast %jit3A_19 : f32 to vector<1024x32xf32>
    %select_n3A_21 = arith.select %eq3A_17, %broadcast_in_dim3A, %broadcast_in_dim3A_20 : vector<1024x32xi1>, vector<1024x32xf32>
    %dot_general3A = arith.constant dense<0.000000e+00> : vector<128x32xf32>
    %dot_general3A_22 = tpu.matmul %get3A_1, %select_n3A_21, %dot_general3A {dimension_numbers = #tpu.dot_dimension_numbers<[0], [0], [1], [1], [0, 1, 1, 1], [], []>, transpose_lhs_hint = false} : vector<1024x128xf32>, vector<1024x32xf32>, vector<128x32xf32> -> vector<128x32xf32>
    %mul3A = arith.constant 3.81469727E-6 : f32
    %mul3A_23 = vector.broadcast %mul3A : f32 to vector<128x32xf32>
    %mul3A_24 = arith.mulf %dot_general3A_22, %mul3A_23 : vector<128x32xf32>
    %swap3A = arith.constant 0 : index
    %swap3A_25 = arith.constant 0 : index
    %swap3A_26 = vector.load %arg1[%swap3A, %swap3A_25] : memref<128x32xf32, #tpu.memory_space<vmem>>, vector<128x32xf32>
    tpu.vector_store %arg1[%swap3A, %swap3A_25], %mul3A_24 {strides = array<i32>} : memref<128x32xf32, #tpu.memory_space<vmem>>, vector<128x32xf32>,
    return
  }
}

</mosaic_0001>

<sc_bundles>
// kernel: kernel.4.cloned.1.call-start
scs
__scs_entry_jumppad:
0x0: {  	(pc) =	sbr.rel $0x88, $3  }
0x1: {  	(tag) =	ssettag $0x0;
	lr =	simm.s32 $0x1  }
0x2: {  	[smem:$0x3FA0] =	sst lr;
	_ =	strace $0xD0000000  }
0x3: {  	_ = 	snop  }
0x4: {  	_ = 	snop  }
0x5: {  	_ = 	snop  }
0x6: {  	_ = 	snop  }
0x7: {  	_ = 	snop  }
__scs_overlays_trampoline_lowered:
0x8: {  	[smem:$0x3FAF] =	sst s0  }
0x9: {  	[smem:$0x3FB0] =	sst s1  }
0xa: {  	[smem:$0x3FB1] =	sst s2  }
0xb: {  	[smem:$0x3FB2] =	sst s3  }
0xc: {  	[smem:$0x3FB3] =	sst s4  }
0xd: {  	[smem:$0x3FB4] =	sst s5  }
0xe: {  	[smem:$0x3FB5] =	sst s6  }
0xf: {  	[smem:$0x3FB6] =	sst s7  }
0x10: {  	[smem:$0x3FB7] =	sst s8  }
0x11: {  	[smem:$0x3FB8] =	sst s9;
	s0 =	simm.s32 @!p0 $0x0  }
0x12: {  	s1 =	sld [smem:$0x3F9E];
	s0 =	simm.s32 @p0 $0x1  }
0x13: {  	[smem:$0x3FB9] =	sst s0;
	s0 =	simm.s32 @!p1 $0x0  }
0x14: {  	s2 =	sld [smem:$0x3F9D];
	s0 =	simm.s32 @p1 $0x1  }
0x15: {  	[smem:$0x3FBA] =	sst s0;
	s0 =	simm.s32 @!p2 $0x0  }
0x16: {  	s3 =	sld [smem:$0x3FDB];
	s0 =	simm.s32 @p2 $0x1  }
0x17: {  	s4 =	simm.s32 $0x1BF5;
	[smem:$0x3FBC] =	sst s0  }
0x18: {  	s0 =	sld [smem:$0x3F9F];
	_ =	swait.ge [sflag:s4], $0x0  }
0x19: {  	s7 =	sld [smem:$0x3FA0]  }
0x1a: {  	s8 =	sadd.s32 $0xFFFFE003, lr  }
0x1b: {  	s9 =	sadd.s32 $0xFFFFFEF7, lr;
	s5 =	simm.s32 $0xFFFFFFFF;
	p2 =	slt.u32 s8, $0xFFFFF086  }
0x1c: {  	p1 =	slt.u32 s9, $0xF7A;
	s5 =	simm.s32 @!p2 $0x0  }
0x1d: {  	s5 =	simm.s32 @p1 $0x1;
	p0 =	seq.s32 s7, s2  }
0x1e: {  	s7 =	smul.u32 @!p0 $0xF7A, s2;
	p2 =	seq.s32 @!p0 s5, $0x0  }
0x1f: {  	s9 =	smul.u32 $0xF7A, s1;
	s8 =	simm.s32 @!p0 $0x1BF5;
	p2 =	por !p2, p0  }
0x20: {  	[sflag:s8] =	ssyncset.s32 @!p0 $0xFFFFF086;
	s6 =	sadd.s32 @!p0 s3, s7;
	s7 =	simm.s32 @!p0 $0x108  }
0x21: {  	s3 =	sadd.s32 s3, s9;
	s6 =	sadd.s32 @!p0 $0x88, s6;
	s7 =	simm.s32 @p2 $0x1082  }
0x22: {  	[simem:s7], [sflag:s8] =	dma.local @!p0 [hbm:s6], $0xF7A  }
0x23: {  	s9 =	sor.u32 $0xD0000000, s2;
	s6 =	simm.s32 $0x108;
	_ =	swait.ge @!p0 [sflag:s8], $0x0  }
0x24: {  	s3 =	sadd.s32 $0x88, s3;
	s6 =	simm.s32 @!p1 $0x1082;
	[sflag:s4] =	ssyncset.s32 $0xFFFFF086  }
0x25: {  	[simem:s6], [sflag:s4] =	dma.local [hbm:s3], $0xF7A  }
0x26: {  	[smem:$0x3FA0] =	sst s1;
	(tag) =	ssettag s2;
	_ =	strace s9  }
0x27: {  	s1 =	sld [smem:$0x3FB0]  }
0x28: {  	s2 =	sld [smem:$0x3FB1]  }
0x29: {  	s4 =	sld [smem:$0x3FB3]  }
0x2a: {  	p0 =	seq.s32 s5, $0x0;
	s5 =	sld [smem:$0x3FB4]  }
0x2b: {  	s6 =	sld [smem:$0x3FB5]  }
0x2c: {  	s7 =	sld [smem:$0x3FB6]  }
0x2d: {  	s3 =	simm.s32 $0x108;
	s8 =	sld [smem:$0x3FB7]  }
0x2e: {  	s3 =	simm.s32 @!p0 $0x1082;
	s9 =	sld [smem:$0x3FB8]  }
0x2f: {  	lr =	sadd.s32 s0, s3;
	s0 =	sld [smem:$0x3FAF]  }
0x30: {  	s3 =	sld [smem:$0x3FB2]  }
0x31: {  	[smem:$0x3FBB] =	sst s10  }
0x32: {  	s10 =	sld [smem:$0x3FB9];
	_ =	sdelay $0x3  }
0x33: {  	p0 =	seq.s32 s10, $0x1;
	s10 =	sld [smem:$0x3FBB];
	_ =	sdelay $0x3  }
0x34: {  	[smem:$0x3FBB] =	sst s10  }
0x35: {  	s10 =	sld [smem:$0x3FBA];
	_ =	sdelay $0x3  }
0x36: {  	p1 =	seq.s32 s10, $0x1;
	s10 =	sld [smem:$0x3FBB];
	_ =	sdelay $0x3  }
0x37: {  	[smem:$0x3FBB] =	sst s10  }
0x38: {  	s10 =	sld [smem:$0x3FBC]  }
0x39: {  	_ = 	snop;
	(pc) =	sbr.ind lr, $3  }
0x3a: {  	_ = 	snop  }
0x3b: {  	_ = 	snop  }
0x3c: {  	p2 =	seq.s32 s10, $0x1;
	s10 =	sld [smem:$0x3FBB]  }
0x3d: {  	_ =	shalt  }
0x3e: {  	_ =	shalt  }
0x3f: {  	_ =	shalt  }
0x40: {  	_ =	shalt  }
0x41: {  	_ =	shalt  }
0x42: {  	_ =	shalt  }
0x43: {  	_ =	shalt  }
0x44: {  	_ =	shalt  }
0x45: {  	_ =	shalt  }
0x46: {  	_ =	shalt  }
0x47: {  	_ =	shalt  }
0x48: {  	_ =	shalt  }
0x49: {  	_ =	shalt  }
0x4a: {  	_ =	shalt  }
0x4b: {  	_ =	shalt  }
0x4c: {  	_ =	shalt  }
0x4d: {  	_ =	shalt  }
0x4e: {  	_ =	shalt  }
0x4f: {  	_ =	shalt  }
0x50: {  	_ =	shalt  }
0x51: {  	_ =	shalt  }
0x52: {  	_ =	shalt  }
0x53: {  	_ =	shalt  }
0x54: {  	_ =	shalt  }
0x55: {  	_ =	shalt  }
0x56: {  	_ =	shalt  }
0x57: {  	_ =	shalt  }
0x58: {  	_ =	shalt  }
0x59: {  	_ =	shalt  }
0x5a: {  	_ =	shalt  }
0x5b: {  	_ =	shalt  }
0x5c: {  	_ =	shalt  }
0x5d: {  	_ =	shalt  }
0x5e: {  	_ =	shalt  }
0x5f: {  	_ =	shalt  }
0x60: {  	_ =	shalt  }
0x61: {  	_ =	shalt  }
0x62: {  	_ =	shalt  }
0x63: {  	_ =	shalt  }
0x64: {  	_ =	shalt  }
0x65: {  	_ =	shalt  }
0x66: {  	_ =	shalt  }
0x67: {  	_ =	shalt  }
0x68: {  	_ =	shalt  }
0x69: {  	_ =	shalt  }
0x6a: {  	_ =	shalt  }
0x6b: {  	_ =	shalt  }
0x6c: {  	_ =	shalt  }
0x6d: {  	_ =	shalt  }
0x6e: {  	_ =	shalt  }
0x6f: {  	_ =	shalt  }
0x70: {  	_ =	shalt  }
0x71: {  	_ =	shalt  }
0x72: {  	_ =	shalt  }
0x73: {  	_ =	shalt  }
0x74: {  	_ =	shalt  }
0x75: {  	_ =	shalt  }
0x76: {  	_ =	shalt  }
0x77: {  	_ =	shalt  }
0x78: {  	_ =	shalt  }
0x79: {  	_ =	shalt  }
0x7a: {  	_ =	shalt  }
0x7b: {  	_ =	shalt  }
0x7c: {  	_ =	shalt  }
0x7d: {  	_ =	shalt  }
0x7e: {  	_ =	shalt  }
0x7f: {  	_ =	shalt  }
0x80: {  	_ =	shalt  }
0x81: {  	_ =	shalt  }
0x82: {  	_ =	shalt  }
0x83: {  	_ =	shalt  }
0x84: {  	_ =	shalt  }
0x85: {  	_ =	shalt  }
0x86: {  	_ =	shalt  }
0x87: {  	_ =	shalt  }
.Lfunc_end0:
.L_simem_size_0:
called_computation_lowered:
.L_overlay_start_0:
0x88: {  	s2 =	sld [smem:$0x3FD9]  }
0x89: {  	s3 =	sld [smem:$0x3FFE];
	_ =	sdelay $0x1  }
0x8a: {  	s1 =	srdreg.scid  }
0x8b: {  	s0 =	sand.u32 $0x1, s1  }
0x8c: {  	s17 =	sshll.u32 s0, $0xA;
	s2 =	sadd.s32 s3, s2  }
0x8d: {  	s2 =	sadd.s32 s2, s17  }
0x8e: {  	[smem:$0x3FC7] =	sst s2  }
0x8f: {  	_ = 	snop  }
0x90: {  	s2 =	sld [smem:$0x3FC9];
	(tm) =	ssettm $0x1  }
0x91: {  	s18 =	sld [smem:$0x3FFB];
	_ =	sdelay $0x3  }
0x92: {  	_ =	strace s18  }
0x93: {  	s3 =	sld [smem:$0x3FFC];
	_ =	sdelay $0x3  }
0x94: {  	_ =	strace s3  }
0x95: {  	s3 =	sld [smem:$0x3FFD];
	_ =	sdelay $0x3  }
0x96: {  	_ =	strace s3  }
0x97: {  	_ =	strace $0x8FFFFFFF  }
0x98: {  	s19 =	sld [smem:$0x3FDB];
	_ =	sdelay $0x1  }
0x99: {  	s4 =	simm.s32 $_scs_section_size  }
0x9a: {  	s5 =	simm.s32 $_size__tile_overlayer_lowered;
	s6 =	simm.s32 $_tile_overlayer_lowered  }
0x9b: {  	s22 =	simm.s32 $0x1BFF;
	s21 =	sshll.u32 s6, $0x1;
	s3 =	sadd.s32 s4, s19  }
0x9c: {  	s7 =	simm.s32 $0x0;
	s20 =	sshll.u32 s5, $0x1;
	s5 =	sadd.s32 s21, s3  }
0x9d: {  	[timem:s7], [sflag:s22] =	dma.local [hbm:s5], s20  }
0x9e: {  	_ =	swait.ge [sflag:s22], s20  }
0x9f: {  	s4 =	ssub.s32 $0x0, s20;
	[sflag:s22] =	ssyncset.done $0x0  }
0xa0: {  	[sflag:s22] =	ssyncadd.s32 s4;
	_ =	sdelay $0x1  }
0xa1: {  	s23 =	simm.s32 $0x1B8B  }
0xa2: {  	_ =	swait.ge [sflag:s23], $0x1  }
0xa3: {  	[sflag:s23] =	ssyncset.done $0x0  }
0xa4: {  	s25 =	simm.s32 $0x1B8E;
	s24 =	sld [smem:$0x3FFE];
	[sflag:s23] =	ssyncadd.s32 $0xFFFFFFFF  }
0xa5: {  	s26 =	simm.s32 $execute0_lowered;
	[smem:$0x3FD2] =	sst s25  }
0xa6: {  	s5 =	sshll.u32 s26, $0x1;
	_ =	strace $0x80000046;
	[dreg:$0x1] =	wrdreg $0xFFFFFFFF  }
0xa7: {  	s28 =	simm.s32 $_size_execute0_lowered;
	s3 =	sadd.s32 s3, s5;
	[dreg:$0x0] =	wrdreg $0x0  }
0xa8: {  	s5 =	sshll.u32 s28, $0x1;
	[dreg:$0x2] =	wrdreg s3  }
0xa9: {  	[dreg:$0x3] =	wrdreg s5  }
0xaa: {  	[dreg:$0x4] =	wrdreg $0xC0  }
0xab: {  	_ =	task [dreg:s7], $0x5FFFF  }
0xac: {  	[dreg:$0x1] =	wrdreg $0xFFFFFFFF  }
0xad: {  	[dreg:$0x0] =	wrdreg $0x60  }
0xae: {  	[dreg:$0x2] =	wrdreg s2  }
0xaf: {  	[dreg:$0x3] =	wrdreg s24  }
0xb0: {  	[dreg:$0x4] =	wrdreg $0x9  }
0xb1: {  	_ =	task.clear_ibuf [dreg:s7], $0x5FFFF;
	_ =	strace $0x90000046  }
0xb2: {  	s29 =	simm.s32 $0x9;
	_ =	strace $0x80000048  }
0xb3: {  	_ =	swait.ge [sflag:s29], $0x1  }
0xb4: {  	[sflag:s29] =	ssyncadd.s32 $0xFFFFFFFF  }
0xb5: {  	_ =	strace $0x90000048  }
0xb6: {  	_ =	sfence  }
0xb7: {  	s30 =	sld [smem:$0x0];
	_ =	sdelay $0x2  }
0xb8: {  	s31 =	sshll.u32 s1, $0xD;
	s1 =	sshrl.u32 s1, $0x2  }
0xb9: {  	s3 =	sand.u32 $0x4000, s31;
	s1 =	sadd.s32 s1, s30  }
0xba: {  	s0 =	sor.u32 s3, s0;
	s1 =	sshll.u32 s1, $0x11  }
0xbb: {  	s0 =	sor.u32 s1, s0  }
0xbc: {  	s0 =	sadd.s32 $0x8F2B, s0  }
0xbd: {  	[sflag:s0] =	ssyncadd.remote.s32 $0x1  }
0xbe: {  	_ =	sfence.sel $0xFFFF  }
0xbf: {  	[dreg:$0x0] =	wrdreg $0xFFFFFFFF;
	(pc) =	sbr.abs _section_cstart, $3  }
0xc0: {  	[dreg:$0x1] =	wrdreg $0xFFFFFFFF  }
0xc1: {  	_ =	task.clear_ibuf [dreg:s7], $0x2FFFF;
	_ =	strace $0x9FFFFFFF  }
0xc2: {  	(tm) =	ssettm $0x7FFFFFFF  }
0xc3: {  	_ =	shalt  }
tec
execute0_lowered:
.L_overlay_start_1:
0x0: {  	(tag) =	ssettag $0x1  }
0x1: {  	s5 =	rddreg [dreg:$0x0]  }
0x2: {  	s3 =	rddreg [dreg:$0x1]  }
0x3: {  	s0 =	rddreg [dreg:$0x2]  }
0x4: {  	s2 =	simm.s32 $0x0;
	s1 =	stileid.u32;
	s6 =	srdreg.scid  }
0x5: {  	s10 =	simm.s32 $0x1;
	s11 =	simm.s32 $0x8000;
	s12 =	simm.s32 $0x2  }
0x6: {  	s13 =	simm.s32 $0x80;
	s14 =	simm.s32 $0x400;
	s15 =	simm.s32 $0x3  }
0x7: {  	[smem:$0x7FF] =	sst s2;
	s4 =	sshll.u32 s1, $0xA;
	s6 =	sand.u32 $0x1, s6  }
0x8: {  	s7 =	sshll.u32 s1, $0x1;
	_ =	strace $0x80000047;
	s4 =	sand.u32 $0x3000, s4  }
0x9: {  	s29 =	ssub.s32 $0x2, s6;
	s6 =	sor.u32 s6, s7;
	s8 =	sadd.s32 s4, s3  }
0xa: {  	v0 =	vlaneseq.u32;
	s30 =	sshrl.u32 s29, $0x1;
	s3 =	sshll.u32 s6, $0x11;
	s6 =	sshll.u32 s6, $0x4  }
0xb: {  	v1 =	vimm.f32 $0.0e+00;
	v2 =	vimm.f32 $1.000000000e+00;
	v3 =	vor.u32 $0x10, v0;
	s9 =	ssub.s32 s29, s30;
	s4 =	sadd.s32 s5, s3;
	s31 =	sand.u32 $0x70, s6  }
0xc: {  	v4 =	vor.u32 $0x20, v0;
	v5 =	vor.u32 $0x30, v0;
	v6 =	vor.u32 $0x40, v0;
	s5 =	sadd.s32 $0x800, s5;
	s6 =	sadd.s32 $0x1000, s4;
	s7 =	sadd.s32 s31, s8  }
0xd: {  	v7 =	vor.u32 $0x50, v0;
	v8 =	vor.u32 $0x60, v0;
	v9 =	vor.u32 $0x70, v0;
	s8 =	smax.u32 s9, $0x1;
	s9 =	simm.s32 $0x4000;
	s7 =	sadd.s32 $0x400, s7  }
.LBB2_1:
0xe: {  	s16 =	simm.s32 $0x40;
	s17 =	simm.s32 $0x0  }
.LBB2_2:
0xf: {  	p0 =	sne.s32 s16, $0x3FC0;
	[tilespmem:s17+$0x8000] =	vst v1;
	s17 =	smov.u32 s16;
	s16 =	sadd.s32 $0x40, s16  }
.Ltmp0:
0x10: {  	(pc) =	sbr.rel @p0 .LBB2_2-.Ltmp0, $2  }
0x11: {  	_ =	sdelay $0x2  }
0x12: {  	s17 =	sshra.s32 s17, $0x2  }
0x13: {  	[tilespmem:s17+$0x8000] =	vst v1;
	s16 =	simm.s32 $0x0;
	s17 =	simm.s32 $0x0  }
0x14: {  	[tilespmem:s16], [sflag:$0x1] =	stream.linear.gather [hbm4b:s4+s16], $0x4000, $0x38;
	[tilespmem:$0x9000] =	vst v63  }
.LBB2_4:
0x15: {  	s18 =	sshll.u32 s17, $0xC  }
0x16: {  	s19 =	sor.u32 s18, s3  }
0x17: {  	s19 =	sadd.s32 s19, s5  }
0x18: {  	[tilespmem:s9], [sflag:$0x2] =	stream.linear.gather [hbm4b:s19+s16], $0x4000, $0x38;
	[tilespmem:$0x9000] =	vst v63  }
0x19: {  	_ =	swait.ge [sflag:s10], $0x4000  }
0x1a: {  	[sflag:s10] =	ssyncset.done $0x0  }
0x1b: {  	s19 =	simm.s32 $0x0;
	[sflag:s10] =	ssyncadd.s32 $0xFFFFC000  }
.LBB2_5:
0x1c: {  	s20 =	sshra.s32 s19, $0x2  }
0x1d: {  	v10 =	vld [tilespmem:s20+$0x0];
	_ =	sdelay $0x4  }
0x1e: {  	v10 =	vsub.f32 $0.0e+00, v10;
	_ =	sdelay $0x1  }
0x1f: {  	v10 =	vmul.f32 $1.442695020e+00, v10;
	_ =	sdelay $0x1  }
0x20: {  	(erf) = vpow2.f32 v10;
	_ =	sdelay $0x8  }
0x21: {  	v10 =	vpop (erf)  }
0x22: {  	v10 =	vadd.f32 $1.000000000e+00, v10;
	_ =	sdelay $0x1  }
0x23: {  	(erf) = vrcp.f32 v10;
	_ =	sdelay $0x8  }
0x24: {  	v10 =	vpop (erf)  }
0x25: {  	v10 =	vmul.f32 $3.200000000e+01, v10;
	_ =	sdelay $0x1  }
0x26: {  	v10 =	vtrunc.f32 v10  }
0x27: {  	v10 =	vcvt.f32.s32 v10;
	_ =	sdelay $0x1  }
0x28: {  	vm0 =	vlt.s32 v10, $0x1F  }
0x29: {  	v10 =	vnsel vm0, $0x1F, v10  }
0x2a: {  	v10 =	vshll.u32 v10, $0x7  }
0x2b: {  	v10 =	vor.u32 v0, v10;
	_ =	sdelay $0x4  }
0x2c: {  	[tilespmem:v10+s11+$0x0] =	vst.idx.add.f32.msk $0xffff, v2  }
0x2d: {  	v10 =	vld [tilespmem:s20+$0x10];
	_ =	sdelay $0x4  }
0x2e: {  	v10 =	vsub.f32 $0.0e+00, v10;
	_ =	sdelay $0x1  }
0x2f: {  	v10 =	vmul.f32 $1.442695020e+00, v10;
	_ =	sdelay $0x1  }
0x30: {  	(erf) = vpow2.f32 v10;
	_ =	sdelay $0x8  }
0x31: {  	v10 =	vpop (erf)  }
0x32: {  	v10 =	vadd.f32 $1.000000000e+00, v10;
	_ =	sdelay $0x1  }
0x33: {  	(erf) = vrcp.f32 v10;
	_ =	sdelay $0x8  }
0x34: {  	v10 =	vpop (erf)  }
0x35: {  	v10 =	vmul.f32 $3.200000000e+01, v10;
	_ =	sdelay $0x1  }
0x36: {  	v10 =	vtrunc.f32 v10  }
0x37: {  	v10 =	vcvt.f32.s32 v10;
	_ =	sdelay $0x1  }
0x38: {  	vm9 =	vlt.s32 v10, $0x1F  }
0x39: {  	v10 =	vnsel vm9, $0x1F, v10  }
0x3a: {  	v10 =	vshll.u32 v10, $0x7  }
0x3b: {  	v10 =	vor.u32 v3, v10;
	_ =	sdelay $0x4  }
0x3c: {  	[tilespmem:v10+s11+$0x0] =	vst.idx.add.f32.msk $0xffff, v2  }
0x3d: {  	v10 =	vld [tilespmem:s20+$0x20];
	_ =	sdelay $0x4  }
0x3e: {  	v10 =	vsub.f32 $0.0e+00, v10;
	_ =	sdelay $0x1  }
0x3f: {  	v10 =	vmul.f32 $1.442695020e+00, v10;
	_ =	sdelay $0x1  }
0x40: {  	(erf) = vpow2.f32 v10;
	_ =	sdelay $0x8  }
0x41: {  	v10 =	vpop (erf)  }
0x42: {  	v10 =	vadd.f32 $1.000000000e+00, v10;
	_ =	sdelay $0x1  }
0x43: {  	(erf) = vrcp.f32 v10;
	_ =	sdelay $0x8  }
0x44: {  	v10 =	vpop (erf)  }
0x45: {  	v10 =	vmul.f32 $3.200000000e+01, v10;
	_ =	sdelay $0x1  }
0x46: {  	v10 =	vtrunc.f32 v10  }
0x47: {  	v10 =	vcvt.f32.s32 v10;
	_ =	sdelay $0x1  }
0x48: {  	vm10 =	vlt.s32 v10, $0x1F  }
0x49: {  	v10 =	vnsel vm10, $0x1F, v10  }
0x4a: {  	v10 =	vshll.u32 v10, $0x7  }
0x4b: {  	v10 =	vor.u32 v4, v10;
	_ =	sdelay $0x4  }
0x4c: {  	[tilespmem:v10+s11+$0x0] =	vst.idx.add.f32.msk $0xffff, v2  }
0x4d: {  	v10 =	vld [tilespmem:s20+$0x30];
	_ =	sdelay $0x4  }
0x4e: {  	v10 =	vsub.f32 $0.0e+00, v10;
	_ =	sdelay $0x1  }
0x4f: {  	v10 =	vmul.f32 $1.442695020e+00, v10;
	_ =	sdelay $0x1  }
0x50: {  	(erf) = vpow2.f32 v10;
	_ =	sdelay $0x8  }
0x51: {  	v10 =	vpop (erf)  }
0x52: {  	v10 =	vadd.f32 $1.000000000e+00, v10;
	_ =	sdelay $0x1  }
0x53: {  	(erf) = vrcp.f32 v10;
	_ =	sdelay $0x8  }
0x54: {  	v10 =	vpop (erf)  }
0x55: {  	v10 =	vmul.f32 $3.200000000e+01, v10;
	_ =	sdelay $0x1  }
0x56: {  	v10 =	vtrunc.f32 v10  }
0x57: {  	v10 =	vcvt.f32.s32 v10;
	_ =	sdelay $0x1  }
0x58: {  	vm11 =	vlt.s32 v10, $0x1F  }
0x59: {  	v10 =	vnsel vm11, $0x1F, v10  }
0x5a: {  	v10 =	vshll.u32 v10, $0x7  }
0x5b: {  	v10 =	vor.u32 v5, v10;
	_ =	sdelay $0x4  }
0x5c: {  	[tilespmem:v10+s11+$0x0] =	vst.idx.add.f32.msk $0xffff, v2  }
0x5d: {  	v10 =	vld [tilespmem:s20+$0x40];
	_ =	sdelay $0x4  }
0x5e: {  	v10 =	vsub.f32 $0.0e+00, v10;
	_ =	sdelay $0x1  }
0x5f: {  	v10 =	vmul.f32 $1.442695020e+00, v10;
	_ =	sdelay $0x1  }
0x60: {  	(erf) = vpow2.f32 v10;
	_ =	sdelay $0x8  }
0x61: {  	v10 =	vpop (erf)  }
0x62: {  	v10 =	vadd.f32 $1.000000000e+00, v10;
	_ =	sdelay $0x1  }
0x63: {  	(erf) = vrcp.f32 v10;
	_ =	sdelay $0x8  }
0x64: {  	v10 =	vpop (erf)  }
0x65: {  	v10 =	vmul.f32 $3.200000000e+01, v10;
	_ =	sdelay $0x1  }
0x66: {  	v10 =	vtrunc.f32 v10  }
0x67: {  	v10 =	vcvt.f32.s32 v10;
	_ =	sdelay $0x1  }
0x68: {  	vm12 =	vlt.s32 v10, $0x1F  }
0x69: {  	v10 =	vnsel vm12, $0x1F, v10  }
0x6a: {  	v10 =	vshll.u32 v10, $0x7  }
0x6b: {  	v10 =	vor.u32 v6, v10;
	_ =	sdelay $0x4  }
0x6c: {  	[tilespmem:v10+s11+$0x0] =	vst.idx.add.f32.msk $0xffff, v2  }
0x6d: {  	v10 =	vld [tilespmem:s20+$0x50];
	_ =	sdelay $0x4  }
0x6e: {  	v10 =	vsub.f32 $0.0e+00, v10;
	_ =	sdelay $0x1  }
0x6f: {  	v10 =	vmul.f32 $1.442695020e+00, v10;
	_ =	sdelay $0x1  }
0x70: {  	(erf) = vpow2.f32 v10;
	_ =	sdelay $0x8  }
0x71: {  	v10 =	vpop (erf)  }
0x72: {  	v10 =	vadd.f32 $1.000000000e+00, v10;
	_ =	sdelay $0x1  }
0x73: {  	(erf) = vrcp.f32 v10;
	_ =	sdelay $0x8  }
0x74: {  	v10 =	vpop (erf)  }
0x75: {  	v10 =	vmul.f32 $3.200000000e+01, v10;
	_ =	sdelay $0x1  }
0x76: {  	v10 =	vtrunc.f32 v10  }
0x77: {  	v10 =	vcvt.f32.s32 v10;
	_ =	sdelay $0x1  }
0x78: {  	vm13 =	vlt.s32 v10, $0x1F  }
0x79: {  	v10 =	vnsel vm13, $0x1F, v10  }
0x7a: {  	v10 =	vshll.u32 v10, $0x7  }
0x7b: {  	v10 =	vor.u32 v7, v10;
	_ =	sdelay $0x4  }
0x7c: {  	[tilespmem:v10+s11+$0x0] =	vst.idx.add.f32.msk $0xffff, v2  }
0x7d: {  	v10 =	vld [tilespmem:s20+$0x60];
	_ =	sdelay $0x4  }
0x7e: {  	v10 =	vsub.f32 $0.0e+00, v10;
	_ =	sdelay $0x1  }
0x7f: {  	v10 =	vmul.f32 $1.442695020e+00, v10;
	_ =	sdelay $0x1  }
0x80: {  	(erf) = vpow2.f32 v10;
	_ =	sdelay $0x8  }
0x81: {  	v10 =	vpop (erf)  }
0x82: {  	v10 =	vadd.f32 $1.000000000e+00, v10;
	_ =	sdelay $0x1  }
0x83: {  	(erf) = vrcp.f32 v10;
	_ =	sdelay $0x8  }
0x84: {  	v10 =	vpop (erf)  }
0x85: {  	v10 =	vmul.f32 $3.200000000e+01, v10;
	_ =	sdelay $0x1  }
0x86: {  	v10 =	vtrunc.f32 v10  }
0x87: {  	v10 =	vcvt.f32.s32 v10;
	_ =	sdelay $0x1  }
0x88: {  	vm14 =	vlt.s32 v10, $0x1F  }
0x89: {  	v10 =	vnsel vm14, $0x1F, v10  }
0x8a: {  	v10 =	vshll.u32 v10, $0x7  }
0x8b: {  	v10 =	vor.u32 v8, v10;
	_ =	sdelay $0x4  }
0x8c: {  	[tilespmem:v10+s11+$0x0] =	vst.idx.add.f32.msk $0xffff, v2  }
0x8d: {  	v10 =	vld [tilespmem:s20+$0x70];
	_ =	sdelay $0x4  }
0x8e: {  	v10 =	vsub.f32 $0.0e+00, v10;
	_ =	sdelay $0x1  }
0x8f: {  	v10 =	vmul.f32 $1.442695020e+00, v10;
	_ =	sdelay $0x1  }
0x90: {  	(erf) = vpow2.f32 v10;
	_ =	sdelay $0x8  }
0x91: {  	v10 =	vpop (erf)  }
0x92: {  	v10 =	vadd.f32 $1.000000000e+00, v10;
	_ =	sdelay $0x1  }
0x93: {  	(erf) = vrcp.f32 v10;
	_ =	sdelay $0x8  }
0x94: {  	v10 =	vpop (erf)  }
0x95: {  	v10 =	vmul.f32 $3.200000000e+01, v10;
	_ =	sdelay $0x1  }
0x96: {  	v10 =	vtrunc.f32 v10  }
0x97: {  	v10 =	vcvt.f32.s32 v10;
	_ =	sdelay $0x1  }
0x98: {  	vm15 =	vlt.s32 v10, $0x1F  }
0x99: {  	v10 =	vnsel vm15, $0x1F, v10  }
0x9a: {  	v10 =	vshll.u32 v10, $0x7  }
0x9b: {  	p0 =	sne.s32 s19, $0xFE00;
	v10 =	vor.u32 v9, v10  }
.Ltmp1:
0x9c: {  	_ = 	snop;
	(pc) =	sbr.rel @p0 .LBB2_5-.Ltmp1, $2  }
0x9d: {  	_ =	sdelay $0x2  }
0x9e: {  	s19 =	sadd.s32 $0x200, s19;
	[tilespmem:v10+s11+$0x0] =	vst.idx.add.f32.msk $0xffff, v2  }
0x9f: {  	p0 =	seq.s32 s17, $0x1F  }
0xa0: {  	s18 =	sadd.s32 @!p0 s18, s6;
	s19 =	simm.s32 @!p0 $0x0  }
0xa1: {  	[tilespmem:s19], [sflag:$0x1] =	stream.linear.gather @!p0 [hbm4b:s18+s19], $0x4000, $0x38;
	[tilespmem:$0x9000] =	vst v63  }
0xa2: {  	_ =	swait.ge [sflag:s12], $0x4000  }
0xa3: {  	[sflag:s12] =	ssyncset.done $0x0  }
0xa4: {  	s18 =	simm.s32 $0x0;
	[sflag:s12] =	ssyncadd.s32 $0xFFFFC000  }
.LBB2_7:
0xa5: {  	s19 =	sshra.s32 s18, $0x2  }
0xa6: {  	v10 =	vld [tilespmem:s19+$0x4000];
	_ =	sdelay $0x4  }
0xa7: {  	v10 =	vsub.f32 $0.0e+00, v10;
	_ =	sdelay $0x1  }
0xa8: {  	v10 =	vmul.f32 $1.442695020e+00, v10;
	_ =	sdelay $0x1  }
0xa9: {  	(erf) = vpow2.f32 v10;
	_ =	sdelay $0x8  }
0xaa: {  	v10 =	vpop (erf)  }
0xab: {  	v10 =	vadd.f32 $1.000000000e+00, v10;
	_ =	sdelay $0x1  }
0xac: {  	(erf) = vrcp.f32 v10;
	_ =	sdelay $0x8  }
0xad: {  	v10 =	vpop (erf)  }
0xae: {  	v10 =	vmul.f32 $3.200000000e+01, v10;
	_ =	sdelay $0x1  }
0xaf: {  	v10 =	vtrunc.f32 v10  }
0xb0: {  	v10 =	vcvt.f32.s32 v10;
	_ =	sdelay $0x1  }
0xb1: {  	vm0 =	vlt.s32 v10, $0x1F  }
0xb2: {  	v10 =	vnsel vm0, $0x1F, v10  }
0xb3: {  	v10 =	vshll.u32 v10, $0x7  }
0xb4: {  	v10 =	vor.u32 v0, v10;
	_ =	sdelay $0x4  }
0xb5: {  	[tilespmem:v10+s11+$0x0] =	vst.idx.add.f32.msk $0xffff, v2  }
0xb6: {  	v10 =	vld [tilespmem:s19+$0x4010];
	_ =	sdelay $0x4  }
0xb7: {  	v10 =	vsub.f32 $0.0e+00, v10;
	_ =	sdelay $0x1  }
0xb8: {  	v10 =	vmul.f32 $1.442695020e+00, v10;
	_ =	sdelay $0x1  }
0xb9: {  	(erf) = vpow2.f32 v10;
	_ =	sdelay $0x8  }
0xba: {  	v10 =	vpop (erf)  }
0xbb: {  	v10 =	vadd.f32 $1.000000000e+00, v10;
	_ =	sdelay $0x1  }
0xbc: {  	(erf) = vrcp.f32 v10;
	_ =	sdelay $0x8  }
0xbd: {  	v10 =	vpop (erf)  }
0xbe: {  	v10 =	vmul.f32 $3.200000000e+01, v10;
	_ =	sdelay $0x1  }
0xbf: {  	v10 =	vtrunc.f32 v10  }
0xc0: {  	v10 =	vcvt.f32.s32 v10;
	_ =	sdelay $0x1  }
0xc1: {  	vm9 =	vlt.s32 v10, $0x1F  }
0xc2: {  	v10 =	vnsel vm9, $0x1F, v10  }
0xc3: {  	v10 =	vshll.u32 v10, $0x7  }
0xc4: {  	v10 =	vor.u32 v3, v10;
	_ =	sdelay $0x4  }
0xc5: {  	[tilespmem:v10+s11+$0x0] =	vst.idx.add.f32.msk $0xffff, v2  }
0xc6: {  	v10 =	vld [tilespmem:s19+$0x4020];
	_ =	sdelay $0x4  }
0xc7: {  	v10 =	vsub.f32 $0.0e+00, v10;
	_ =	sdelay $0x1  }
0xc8: {  	v10 =	vmul.f32 $1.442695020e+00, v10;
	_ =	sdelay $0x1  }
0xc9: {  	(erf) = vpow2.f32 v10;
	_ =	sdelay $0x8  }
0xca: {  	v10 =	vpop (erf)  }
0xcb: {  	v10 =	vadd.f32 $1.000000000e+00, v10;
	_ =	sdelay $0x1  }
0xcc: {  	(erf) = vrcp.f32 v10;
	_ =	sdelay $0x8  }
0xcd: {  	v10 =	vpop (erf)  }
0xce: {  	v10 =	vmul.f32 $3.200000000e+01, v10;
	_ =	sdelay $0x1  }
0xcf: {  	v10 =	vtrunc.f32 v10  }
0xd0: {  	v10 =	vcvt.f32.s32 v10;
	_ =	sdelay $0x1  }
0xd1: {  	vm10 =	vlt.s32 v10, $0x1F  }
0xd2: {  	v10 =	vnsel vm10, $0x1F, v10  }
0xd3: {  	v10 =	vshll.u32 v10, $0x7  }
0xd4: {  	v10 =	vor.u32 v4, v10;
	_ =	sdelay $0x4  }
0xd5: {  	[tilespmem:v10+s11+$0x0] =	vst.idx.add.f32.msk $0xffff, v2  }
0xd6: {  	v10 =	vld [tilespmem:s19+$0x4030];
	_ =	sdelay $0x4  }
0xd7: {  	v10 =	vsub.f32 $0.0e+00, v10;
	_ =	sdelay $0x1  }
0xd8: {  	v10 =	vmul.f32 $1.442695020e+00, v10;
	_ =	sdelay $0x1  }
0xd9: {  	(erf) = vpow2.f32 v10;
	_ =	sdelay $0x8  }
0xda: {  	v10 =	vpop (erf)  }
0xdb: {  	v10 =	vadd.f32 $1.000000000e+00, v10;
	_ =	sdelay $0x1  }
0xdc: {  	(erf) = vrcp.f32 v10;
	_ =	sdelay $0x8  }
0xdd: {  	v10 =	vpop (erf)  }
0xde: {  	v10 =	vmul.f32 $3.200000000e+01, v10;
	_ =	sdelay $0x1  }
0xdf: {  	v10 =	vtrunc.f32 v10  }
0xe0: {  	v10 =	vcvt.f32.s32 v10;
	_ =	sdelay $0x1  }
0xe1: {  	vm11 =	vlt.s32 v10, $0x1F  }
0xe2: {  	v10 =	vnsel vm11, $0x1F, v10  }
0xe3: {  	v10 =	vshll.u32 v10, $0x7  }
0xe4: {  	v10 =	vor.u32 v5, v10;
	_ =	sdelay $0x4  }
0xe5: {  	[tilespmem:v10+s11+$0x0] =	vst.idx.add.f32.msk $0xffff, v2  }
0xe6: {  	v10 =	vld [tilespmem:s19+$0x4040];
	_ =	sdelay $0x4  }
0xe7: {  	v10 =	vsub.f32 $0.0e+00, v10;
	_ =	sdelay $0x1  }
0xe8: {  	v10 =	vmul.f32 $1.442695020e+00, v10;
	_ =	sdelay $0x1  }
0xe9: {  	(erf) = vpow2.f32 v10;
	_ =	sdelay $0x8  }
0xea: {  	v10 =	vpop (erf)  }
0xeb: {  	v10 =	vadd.f32 $1.000000000e+00, v10;
	_ =	sdelay $0x1  }
0xec: {  	(erf) = vrcp.f32 v10;
	_ =	sdelay $0x8  }
0xed: {  	v10 =	vpop (erf)  }
0xee: {  	v10 =	vmul.f32 $3.200000000e+01, v10;
	_ =	sdelay $0x1  }
0xef: {  	v10 =	vtrunc.f32 v10  }
0xf0: {  	v10 =	vcvt.f32.s32 v10;
	_ =	sdelay $0x1  }
0xf1: {  	vm12 =	vlt.s32 v10, $0x1F  }
0xf2: {  	v10 =	vnsel vm12, $0x1F, v10  }
0xf3: {  	v10 =	vshll.u32 v10, $0x7  }
0xf4: {  	v10 =	vor.u32 v6, v10;
	_ =	sdelay $0x4  }
0xf5: {  	[tilespmem:v10+s11+$0x0] =	vst.idx.add.f32.msk $0xffff, v2  }
0xf6: {  	v10 =	vld [tilespmem:s19+$0x4050];
	_ =	sdelay $0x4  }
0xf7: {  	v10 =	vsub.f32 $0.0e+00, v10;
	_ =	sdelay $0x1  }
0xf8: {  	v10 =	vmul.f32 $1.442695020e+00, v10;
	_ =	sdelay $0x1  }
0xf9: {  	(erf) = vpow2.f32 v10;
	_ =	sdelay $0x8  }
0xfa: {  	v10 =	vpop (erf)  }
0xfb: {  	v10 =	vadd.f32 $1.000000000e+00, v10;
	_ =	sdelay $0x1  }
0xfc: {  	(erf) = vrcp.f32 v10;
	_ =	sdelay $0x8  }
0xfd: {  	v10 =	vpop (erf)  }
0xfe: {  	v10 =	vmul.f32 $3.200000000e+01, v10;
	_ =	sdelay $0x1  }
0xff: {  	v10 =	vtrunc.f32 v10  }
0x100: {  	v10 =	vcvt.f32.s32 v10;
	_ =	sdelay $0x1  }
0x101: {  	vm13 =	vlt.s32 v10, $0x1F  }
0x102: {  	v10 =	vnsel vm13, $0x1F, v10  }
0x103: {  	v10 =	vshll.u32 v10, $0x7  }
0x104: {  	v10 =	vor.u32 v7, v10;
	_ =	sdelay $0x4  }
0x105: {  	[tilespmem:v10+s11+$0x0] =	vst.idx.add.f32.msk $0xffff, v2  }
0x106: {  	v10 =	vld [tilespmem:s19+$0x4060];
	_ =	sdelay $0x4  }
0x107: {  	v10 =	vsub.f32 $0.0e+00, v10;
	_ =	sdelay $0x1  }
0x108: {  	v10 =	vmul.f32 $1.442695020e+00, v10;
	_ =	sdelay $0x1  }
0x109: {  	(erf) = vpow2.f32 v10;
	_ =	sdelay $0x8  }
0x10a: {  	v10 =	vpop (erf)  }
0x10b: {  	v10 =	vadd.f32 $1.000000000e+00, v10;
	_ =	sdelay $0x1  }
0x10c: {  	(erf) = vrcp.f32 v10;
	_ =	sdelay $0x8  }
0x10d: {  	v10 =	vpop (erf)  }
0x10e: {  	v10 =	vmul.f32 $3.200000000e+01, v10;
	_ =	sdelay $0x1  }
0x10f: {  	v10 =	vtrunc.f32 v10  }
0x110: {  	v10 =	vcvt.f32.s32 v10;
	_ =	sdelay $0x1  }
0x111: {  	vm14 =	vlt.s32 v10, $0x1F  }
0x112: {  	v10 =	vnsel vm14, $0x1F, v10  }
0x113: {  	v10 =	vshll.u32 v10, $0x7  }
0x114: {  	v10 =	vor.u32 v8, v10;
	_ =	sdelay $0x4  }
0x115: {  	[tilespmem:v10+s11+$0x0] =	vst.idx.add.f32.msk $0xffff, v2  }
0x116: {  	v10 =	vld [tilespmem:s19+$0x4070];
	_ =	sdelay $0x4  }
0x117: {  	v10 =	vsub.f32 $0.0e+00, v10;
	_ =	sdelay $0x1  }
0x118: {  	v10 =	vmul.f32 $1.442695020e+00, v10;
	_ =	sdelay $0x1  }
0x119: {  	(erf) = vpow2.f32 v10;
	_ =	sdelay $0x8  }
0x11a: {  	v10 =	vpop (erf)  }
0x11b: {  	v10 =	vadd.f32 $1.000000000e+00, v10;
	_ =	sdelay $0x1  }
0x11c: {  	(erf) = vrcp.f32 v10;
	_ =	sdelay $0x8  }
0x11d: {  	v10 =	vpop (erf)  }
0x11e: {  	v10 =	vmul.f32 $3.200000000e+01, v10;
	_ =	sdelay $0x1  }
0x11f: {  	v10 =	vtrunc.f32 v10  }
0x120: {  	v10 =	vcvt.f32.s32 v10;
	_ =	sdelay $0x1  }
0x121: {  	vm15 =	vlt.s32 v10, $0x1F  }
0x122: {  	v10 =	vnsel vm15, $0x1F, v10  }
0x123: {  	v10 =	vshll.u32 v10, $0x7  }
0x124: {  	p0 =	sne.s32 s18, $0xFE00;
	v10 =	vor.u32 v9, v10  }
.Ltmp2:
0x125: {  	_ = 	snop;
	(pc) =	sbr.rel @p0 .LBB2_7-.Ltmp2, $2  }
0x126: {  	_ =	sdelay $0x2  }
0x127: {  	s18 =	sadd.s32 $0x200, s18;
	[tilespmem:v10+s11+$0x0] =	vst.idx.add.f32.msk $0xffff, v2  }
0x128: {  	s17 =	sadd.s32 $0x1, s17  }
0x129: {  	p0 =	sne.s32 s17, $0x20  }
.Ltmp3:
0x12a: {  	_ = 	snop;
	(pc) =	sbr.rel @p0 .LBB2_4-.Ltmp3, $1  }
0x12b: {  	_ =	sdelay $0x3  }
0x12c: {  	s2 =	sadd.s32 $0x1, s2  }
0x12d: {  	p0 =	sne.s32 s2, s8  }
.Ltmp4:
0x12e: {  	_ = 	snop;
	(pc) =	sbr.rel @p0 .LBB2_1-.Ltmp4, $4  }
0x12f: {  	[hbm4b:s7+s13] =	stream.strided.scatter [tilespmem:s11], [sflag:$0x3], $0x1000, s14, s13, $0x38;
	[tilespmem:$0x9000] =	vst v63  }
0x130: {  	_ =	swait.ge [sflag:s15], $0x1000  }
0x131: {  	[sflag:s15] =	ssyncset.done $0x0  }
0x132: {  	[sflag:s15] =	ssyncadd.s32 $0xFFFFF000  }
0x133: {  	_ =	sfence.sel $0x180000  }
0x134: {  	[bflag:$0x0] =	sbarrier.arrive $0xFFFF  }
0x135: {  	p0 =	sne.s32 s1, $0x0;
	_ =	strace $0x90000047  }
0x136: {  	s0 =	sadd.s32 @!p0 $0x100000, s0;
	[bflag:$0x2] =	sbarrier.arrive $0xFFFF  }
0x137: {  	[sflag:s0] =	ssyncadd.tile.s32 @!p0 $0x1;
	_ =	shalt  }
.Lfunc_end2:
_tile_overlayer_lowered:
.L_overlay_start_2:
0x138: {  	(tag) =	ssettag $0x2  }
0x139: {  	s0 =	rddreg [dreg:$0x0];
	s2 =	stileid.u32  }
0x13a: {  	s1 =	rddreg [dreg:$0x1];
	p0 =	sne.s32 s2, $0x0  }
0x13b: {  	s3 =	rddreg [dreg:$0x2];
	[bflag:$0x3] =	sbarrier.arrive $0xFFFF;
	s2 =	simm.s32 @!p0 $0x1C03  }
0x13c: {  	[timem:s3], [sflag:s2] =	dma.local @!p0 [hbm:s0], s1  }
0x13d: {  	s0 =	simm.s32 @!p0 $0x3  }
0x13e: {  	_ =	swait.ge @!p0 [sflag:s0], s1  }
0x13f: {  	s1 =	ssub.s32 @!p0 $0x0, s1;
	[sflag:s0] =	ssyncset.done @!p0 $0x0  }
0x140: {  	[sflag:s0] =	ssyncadd.s32 @!p0 s1  }
0x141: {  	[bflag:$0x3] =	sbarrier.arrive $0xFFFF  }
0x142: {  	_ =	shalt  }

</sc_bundles>
